<compile_context>
chip_gen: v7x
topology: tpu7x:2x2x1
jax: 0.10.2.dev20260603
libtpu: 0.0.44.dev20260713+nightly
codegen_flags: <defaults>
</compile_context>

<pallas_src>
import functools

import jax
import jax.numpy as jnp
from jax import lax
from jax.experimental import pallas as pl
from jax.experimental.pallas import tpu as pltpu
from jax.experimental.pallas import tpu_sc as plsc

FDIM = 128
NGRAPH = 16
BLK = 1000
CH = 128
NSC = 2
NTILE = 16
NW = NSC * NTILE
C0_FRAC_NUM = 73
C0_FRAC_DEN = 100


def _make_agg(n_nodes, n_pad, e_pad):
    nch = e_pad // (NW * CH)
    nch0 = (2 * nch * C0_FRAC_NUM) // C0_FRAC_DEN
    nch1 = 2 * nch - nch0
    rpt = n_pad // NTILE
    mesh = plsc.VectorSubcoreMesh(core_axis_name="c", subcore_axis_name="s")

    scratch_types = [
        pltpu.VMEM((2, CH), jnp.int32),
        pltpu.VMEM((CH, FDIM), jnp.float32),
        pltpu.VMEM_SHARED((n_pad, FDIM), jnp.float32),
        pltpu.SemaphoreType.DMA,
    ]

    @functools.partial(
        pl.kernel,
        out_type=jax.ShapeDtypeStruct((NSC, n_pad, FDIM), jnp.float32),
        mesh=mesh,
        scratch_types=scratch_types,
    )
    def agg(t_hbm, idx_hbm, zero_hbm, out_hbm, idx_v, rows_v, acc_sh, sem):
        c = lax.axis_index("c")
        s = lax.axis_index("s")
        pltpu.sync_copy(zero_hbm, rows_v)
        nfull = rpt // CH
        for i in range(nfull):
            pltpu.sync_copy(rows_v, acc_sh.at[pl.ds(s * rpt + i * CH, CH)])
        rem = rpt - nfull * CH
        if rem:
            pltpu.sync_copy(rows_v.at[pl.ds(0, rem)],
                            acc_sh.at[pl.ds(s * rpt + nfull * CH, rem)])
        plsc.subcore_barrier()

        my_nch = jnp.where(c == 0, nch0, nch1)
        row0 = c * NTILE * nch0 + s * my_nch

        def body(k, carry):
            pltpu.sync_copy(idx_hbm.at[row0 + k], idx_v)
            pltpu.async_copy(t_hbm.at[idx_v.at[0]], rows_v, sem).wait()
            pltpu.sync_copy(rows_v, acc_sh.at[idx_v.at[1]], add=True)
            return carry

        lax.fori_loop(0, my_nch, body, 0)

        plsc.subcore_barrier()
        pltpu.sync_copy(acc_sh.at[pl.ds(s * rpt, rpt)],
                        out_hbm.at[c, pl.ds(s * rpt, rpt)])

    return agg


def _enc_body(x_ref, w0_ref, b0_ref, g_ref, bb_ref, h_ref, t_ref):
    h = jnp.dot(x_ref[...], w0_ref[...],
                preferred_element_type=jnp.float32) + b0_ref[...]
    h_ref[...] = h
    mu = jnp.mean(h, axis=-1, keepdims=True)
    var = jnp.mean((h - mu) * (h - mu), axis=-1, keepdims=True)
    t = (h - mu) * lax.rsqrt(var + 1e-5) * g_ref[...] + bb_ref[...]
    t_ref[...] = jnp.maximum(t, 0.0)


def _enc_call(x, w0, b0, g, bb):
    n = x.shape[0]
    nb = n // BLK
    row = pl.BlockSpec((BLK, FDIM), lambda i: (i, 0))
    full = pl.BlockSpec((FDIM, FDIM), lambda i: (0, 0))
    vec = pl.BlockSpec((1, FDIM), lambda i: (0, 0))
    return pl.pallas_call(
        _enc_body,
        grid=(nb,),
        in_specs=[row, full, vec, vec, vec],
        out_specs=(row, row),
        out_shape=(jax.ShapeDtypeStruct((n, FDIM), jnp.float32),
                   jax.ShapeDtypeStruct((n, FDIM), jnp.float32)),
    )(x, w0, b0, g, bb)


def _post_body(h_ref, t_ref, a0_ref, a1_ref, e_ref, w1_ref, s1_ref, f1_ref,
               w2_ref, s2_ref, f2_ref, g_ref, bb_ref, ho_ref, to_ref):
    u = t_ref[...] * e_ref[...] + a0_ref[...] + a1_ref[...]
    z = jnp.dot(u, w1_ref[...], preferred_element_type=jnp.float32)
    z = jnp.maximum(z * s1_ref[...] + f1_ref[...], 0.0)
    z = jnp.dot(z, w2_ref[...], preferred_element_type=jnp.float32)
    z = jnp.maximum(z * s2_ref[...] + f2_ref[...], 0.0)
    h = h_ref[...] + z
    ho_ref[...] = h
    mu = jnp.mean(h, axis=-1, keepdims=True)
    var = jnp.mean((h - mu) * (h - mu), axis=-1, keepdims=True)
    t = (h - mu) * lax.rsqrt(var + 1e-5) * g_ref[...] + bb_ref[...]
    to_ref[...] = jnp.maximum(t, 0.0)


def _post_call(h, t, a0, a1, e, w1, s1, f1, w2, s2, f2, g, bb):
    n = h.shape[0]
    nb = n // BLK
    row = pl.BlockSpec((BLK, FDIM), lambda i: (i, 0))
    full = pl.BlockSpec((FDIM, FDIM), lambda i: (0, 0))
    vec = pl.BlockSpec((1, FDIM), lambda i: (0, 0))
    return pl.pallas_call(
        _post_body,
        grid=(nb,),
        in_specs=[row, row, row, row, vec, full, vec, vec, full, vec, vec,
                  vec, vec],
        out_specs=(row, row),
        out_shape=(jax.ShapeDtypeStruct((n, FDIM), jnp.float32),
                   jax.ShapeDtypeStruct((n, FDIM), jnp.float32)),
    )(h, t, a0, a1, e, w1, s1, f1, w2, s2, f2, g, bb)


def _pool_body(h_ref, b_ref, o_ref, s_acc, c_acc):
    i = pl.program_id(0)
    nb = pl.num_programs(0)

    @pl.when(i == 0)
    def _():
        s_acc[...] = jnp.zeros_like(s_acc)
        c_acc[...] = jnp.zeros_like(c_acc)

    b = jnp.reshape(b_ref[...], (1, BLK))
    oh = (lax.broadcasted_iota(jnp.int32, (NGRAPH, BLK), 0)
          == jnp.broadcast_to(b, (NGRAPH, BLK))).astype(jnp.float32)
    s_acc[...] += jnp.dot(oh, h_ref[...], preferred_element_type=jnp.float32)
    c_acc[...] += jnp.broadcast_to(
        jnp.sum(oh, axis=1, keepdims=True), (NGRAPH, FDIM))

    @pl.when(i == nb - 1)
    def _():
        o_ref[...] = s_acc[...] / jnp.maximum(c_acc[...], 1.0)


def _pool_call(h, batch3d):
    n = h.shape[0]
    nb = n // BLK
    return pl.pallas_call(
        _pool_body,
        grid=(nb,),
        in_specs=[pl.BlockSpec((BLK, FDIM), lambda i: (i, 0)),
                  pl.BlockSpec((1, 1, BLK), lambda i: (i, 0, 0))],
        out_specs=pl.BlockSpec((NGRAPH, FDIM), lambda i: (0, 0)),
        out_shape=jax.ShapeDtypeStruct((NGRAPH, FDIM), jnp.float32),
        scratch_shapes=[pltpu.VMEM((NGRAPH, FDIM), jnp.float32),
                        pltpu.VMEM((NGRAPH, FDIM), jnp.float32)],
    )(h, batch3d)


def kernel(x, edge_index, batch, params):
    n = x.shape[0]
    e = edge_index.shape[1]

    e_pad = -(-e // (NW * CH)) * (NW * CH)
    n_pad = -(-(n + 1) // (NTILE * 8)) * (NTILE * 8)
    src = edge_index[0]
    dst = edge_index[1]
    if e_pad != e:
        pad = e_pad - e
        src = jnp.concatenate([src, jnp.zeros((pad,), jnp.int32)])
        dst = jnp.concatenate(
            [dst, n + (jnp.arange(pad, dtype=jnp.int32) % (n_pad - n))])
    idxs = jnp.stack([jnp.reshape(src, (e_pad // CH, CH)),
                      jnp.reshape(dst, (e_pad // CH, CH))], axis=1)
    zeros_hbm = jnp.zeros((CH, FDIM), jnp.float32)
    agg_fn = _make_agg(n, n_pad, e_pad)

    def vrow(v):
        return jnp.reshape(v, (1, FDIM))

    p0 = params['layers'][0]
    h, t = _enc_call(x, params['W0'], vrow(params['b0']),
                     vrow(p0['ln_g']), vrow(p0['ln_b']))

    bn_scale = 1.0 / jnp.sqrt(jnp.float32(1.0 + 1e-5))
    nlayers = len(params['layers'])
    for l, p in enumerate(params['layers']):
        parts = agg_fn(t, idxs, zeros_hbm)
        a0 = parts[0]
        a1 = parts[1]
        e_b = jnp.broadcast_to(jnp.reshape(1.0 + p['eps'], (1, 1)), (1, FDIM))
        s1 = vrow(p['bn1_g'] * bn_scale)
        f1 = vrow(p['b1'] * p['bn1_g'] * bn_scale + p['bn1_b'])
        s2 = vrow(p['bn2_g'] * bn_scale)
        f2 = vrow(p['b2'] * p['bn2_g'] * bn_scale + p['bn2_b'])
        pn = params['layers'][l + 1] if l + 1 < nlayers else p
        h, t = _post_call(h, t, a0, a1, e_b, p['W1'], s1, f1,
                          p['W2'], s2, f2, vrow(pn['ln_g']), vrow(pn['ln_b']))

    return _pool_call(h, jnp.reshape(batch, (n // BLK, 1, BLK)))

# --- scband reference (transcript-rebuilt; emitter-appended) ---
"""Pipeline reference for scband-graph-encoder-69681549410865 (READ-ONLY COPY).

The authoritative reference and input builder live on the scoring server;
editing this copy changes nothing except your own understanding.
"""

import jax, jax.numpy as jnp
import numpy as np

N = 10000
E = 320000
D = 128
H = 128
L = 3
G = 16


def setup_inputs(seed: int = 0) -> dict:
    key = jax.random.key(seed)
    ks = jax.random.split(key, 4 + 2 * L)
    x = jax.random.normal(ks[0], (N, D), dtype=jnp.float32)
    edge_index = jax.random.randint(ks[1], (2, E), 0, N, dtype=jnp.int32)
    batch = jnp.sort(jax.random.randint(ks[2], (N,), 0, G, dtype=jnp.int32))
    layers = []
    for l in range(L):
        k1, k2 = jax.random.split(ks[4 + l], 2)
        layers.append({
            'ln_g': jnp.ones((H,), jnp.float32),
            'ln_b': jnp.zeros((H,), jnp.float32),
            'eps': jnp.array(0.0, jnp.float32),
            'W1': jax.random.normal(k1, (H, H), jnp.float32) / np.sqrt(H),
            'b1': jnp.zeros((H,), jnp.float32),
            'bn1_g': jnp.ones((H,), jnp.float32),
            'bn1_b': jnp.zeros((H,), jnp.float32),
            'W2': jax.random.normal(k2, (H, H), jnp.float32) / np.sqrt(H),
            'b2': jnp.zeros((H,), jnp.float32),
            'bn2_g': jnp.ones((H,), jnp.float32),
            'bn2_b': jnp.zeros((H,), jnp.float32),
        })
    params = {
        'W0': jax.random.normal(ks[3], (D, H), jnp.float32) / np.sqrt(D),
        'b0': jnp.zeros((H,), jnp.float32),
        'layers': layers,
    }
    return {'x': x, 'edge_index': edge_index, 'batch': batch, 'params': params}


def _layer_norm(h, g, b):
    mu = jnp.mean(h, axis=-1, keepdims=True)
    var = jnp.var(h, axis=-1, keepdims=True)
    return (h - mu) / jnp.sqrt(var + 1e-5) * g + b


def _bn_eval(h, g, b):
    # BatchNorm1d in eval mode with running_mean=0, running_var=1
    return h / jnp.sqrt(1.0 + 1e-5) * g + b


def _gin_conv(h, edge_index, p):
    src, dst = edge_index[0], edge_index[1]
    msgs = jnp.take(h, src, axis=0)
    agg = jax.ops.segment_sum(msgs, dst, num_segments=N)
    z = (1.0 + p['eps']) * h + agg
    z = jax.nn.relu(_bn_eval(z @ p['W1'] + p['b1'], p['bn1_g'], p['bn1_b']))
    z = jax.nn.relu(_bn_eval(z @ p['W2'] + p['b2'], p['bn2_g'], p['bn2_b']))
    return z


def reference(x, edge_index, batch, params):
    # node encoder
    h = x @ params['W0'] + params['b0']
    # DeepGCNLayer block='res+': h = x + conv(dropout(act(norm(x))))  (dropout is identity in eval)
    for p in params['layers']:
        t = _layer_norm(h, p['ln_g'], p['ln_b'])
        t = jax.nn.relu(t)
        t = _gin_conv(t, edge_index, p)
        h = h + t
    # global_mean_pool over graphs
    sums = jax.ops.segment_sum(h, batch, num_segments=G)
    counts = jax.ops.segment_sum(jnp.ones((N,), jnp.float32), batch, num_segments=G)
    return sums / jnp.clip(counts, 1.0, None)[:, None]

if __name__ == "__main__":
    import jax
    _d = setup_inputs()
    print(jax.jit(kernel)(*tuple(_d.values())))

</pallas_src>

<mosaic_0001>
#map = affine_map<(d0, d1) -> (0, 0)>
#map1 = affine_map<(d0, d1) -> (0, 0, 0)>
module attributes {stable_mosaic.version = 14 : i64} {
  func.func @agg(%arg0: i32, %arg1: i32, %arg2: memref<10000x128xf32, #tpu.memory_space<hbm>>, %arg3: memref<2528x2x128xi32, #tpu.memory_space<hbm>>, %arg4: memref<128x128xf32, #tpu.memory_space<hbm>>, %arg5: memref<2x10112x128xf32, #tpu.memory_space<hbm>>, %arg6: memref<2x128xi32, #tpu.memory_space<vmem>>, %arg7: memref<128x128xf32, #tpu.memory_space<vmem>>, %arg8: memref<10112x128xf32, #tpu.memory_space<vmem_shared>>, %arg9: memref<!tpu.dma_semaphore, #tpu.memory_space<semaphore_mem>>) attributes {dimension_semantics = [#tpu.dimension_semantics<core_parallel>, #tpu.dimension_semantics<subcore_parallel>], iteration_bounds = array<i64: 2, 16>, scalar_prefetch = 0 : i64, scratch_operands = 4 : i64, tpu.core_type = #tpu.core_type<sc_vector_subcore>, window_params = [{transform_indices = #map}, {transform_indices = #map1}, {transform_indices = #map}, {transform_indices = #map1}]} {
    "tpu.region"() ({
      %run_scoped3A = tpu.sem_alloc : memref<!tpu.dma_semaphore, #tpu.memory_space<semaphore_mem>>
      tpu.enqueue_dma source(%arg4 : memref<128x128xf32, #tpu.memory_space<hbm>>) target(%arg7 : memref<128x128xf32, #tpu.memory_space<vmem>>) target_semaphore(%run_scoped3A : memref<!tpu.dma_semaphore, #tpu.memory_space<semaphore_mem>>)
      tpu.wait_dma2 semaphore(%run_scoped3A : memref<!tpu.dma_semaphore, #tpu.memory_space<semaphore_mem>>) src(%arg4 : memref<128x128xf32, #tpu.memory_space<hbm>>) dst(%arg7 : memref<128x128xf32, #tpu.memory_space<vmem>>)
      tpu.yield
    }) : () -> ()
    %mul3A = arith.constant 632 : i32
    %mul3A_0 = arith.muli %arg1, %mul3A : i32
    %add3A = arith.constant 0 : i32
    %add3A_1 = arith.addi %mul3A_0, %add3A : i32
    "tpu.region"() ({
      %run_scoped3A = tpu.sem_alloc : memref<!tpu.dma_semaphore, #tpu.memory_space<semaphore_mem>>
      %dma_start3A = arith.constant 0 : i32
      %dma_start3A_40 = tpu.memref_slice %arg8[%add3A_1, %dma_start3A] : memref<10112x128xf32, #tpu.memory_space<vmem_shared>> -> memref<128x128xf32, #tpu.memory_space<vmem_shared>>
      %dma_start3A_41 = arith.constant 0 : i32
      %dma_start3A_42 = tpu.memref_slice %arg8[%add3A_1, %dma_start3A_41] : memref<10112x128xf32, #tpu.memory_space<vmem_shared>> -> memref<128x128xf32, #tpu.memory_space<vmem_shared>>
      tpu.enqueue_dma source(%arg7 : memref<128x128xf32, #tpu.memory_space<vmem>>) target(%dma_start3A_42 : memref<128x128xf32, #tpu.memory_space<vmem_shared>>) target_semaphore(%run_scoped3A : memref<!tpu.dma_semaphore, #tpu.memory_space<semaphore_mem>>)
      %dma_wait3A = arith.constant 0 : i32
      %dma_wait3A_43 = tpu.memref_slice %arg8[%add3A_1, %dma_wait3A] : memref<10112x128xf32, #tpu.memory_space<vmem_shared>> -> memref<128x128xf32, #tpu.memory_space<vmem_shared>>
      %dma_wait3A_44 = arith.constant 0 : i32
      %dma_wait3A_45 = tpu.memref_slice %arg8[%add3A_1, %dma_wait3A_44] : memref<10112x128xf32, #tpu.memory_space<vmem_shared>> -> memref<128x128xf32, #tpu.memory_space<vmem_shared>>
      tpu.wait_dma2 semaphore(%run_scoped3A : memref<!tpu.dma_semaphore, #tpu.memory_space<semaphore_mem>>) src(%arg7 : memref<128x128xf32, #tpu.memory_space<vmem>>) dst(%dma_wait3A_45 : memref<128x128xf32, #tpu.memory_space<vmem_shared>>)
      tpu.yield
    }) : () -> ()
    %mul3A_2 = arith.constant 632 : i32
    %mul3A_3 = arith.muli %arg1, %mul3A_2 : i32
    %add3A_4 = arith.constant 128 : i32
    %add3A_5 = arith.addi %mul3A_3, %add3A_4 : i32
    "tpu.region"() ({
      %run_scoped3A = tpu.sem_alloc : memref<!tpu.dma_semaphore, #tpu.memory_space<semaphore_mem>>
      %dma_start3A = arith.constant 0 : i32
      %dma_start3A_40 = tpu.memref_slice %arg8[%add3A_5, %dma_start3A] : memref<10112x128xf32, #tpu.memory_space<vmem_shared>> -> memref<128x128xf32, #tpu.memory_space<vmem_shared>>
      %dma_start3A_41 = arith.constant 0 : i32
      %dma_start3A_42 = tpu.memref_slice %arg8[%add3A_5, %dma_start3A_41] : memref<10112x128xf32, #tpu.memory_space<vmem_shared>> -> memref<128x128xf32, #tpu.memory_space<vmem_shared>>
      tpu.enqueue_dma source(%arg7 : memref<128x128xf32, #tpu.memory_space<vmem>>) target(%dma_start3A_42 : memref<128x128xf32, #tpu.memory_space<vmem_shared>>) target_semaphore(%run_scoped3A : memref<!tpu.dma_semaphore, #tpu.memory_space<semaphore_mem>>)
      %dma_wait3A = arith.constant 0 : i32
      %dma_wait3A_43 = tpu.memref_slice %arg8[%add3A_5, %dma_wait3A] : memref<10112x128xf32, #tpu.memory_space<vmem_shared>> -> memref<128x128xf32, #tpu.memory_space<vmem_shared>>
      %dma_wait3A_44 = arith.constant 0 : i32
      %dma_wait3A_45 = tpu.memref_slice %arg8[%add3A_5, %dma_wait3A_44] : memref<10112x128xf32, #tpu.memory_space<vmem_shared>> -> memref<128x128xf32, #tpu.memory_space<vmem_shared>>
      tpu.wait_dma2 semaphore(%run_scoped3A : memref<!tpu.dma_semaphore, #tpu.memory_space<semaphore_mem>>) src(%arg7 : memref<128x128xf32, #tpu.memory_space<vmem>>) dst(%dma_wait3A_45 : memref<128x128xf32, #tpu.memory_space<vmem_shared>>)
      tpu.yield
    }) : () -> ()
    %mul3A_6 = arith.constant 632 : i32
    %mul3A_7 = arith.muli %arg1, %mul3A_6 : i32
    %add3A_8 = arith.constant 256 : i32
    %add3A_9 = arith.addi %mul3A_7, %add3A_8 : i32
    "tpu.region"() ({
      %run_scoped3A = tpu.sem_alloc : memref<!tpu.dma_semaphore, #tpu.memory_space<semaphore_mem>>
      %dma_start3A = arith.constant 0 : i32
      %dma_start3A_40 = tpu.memref_slice %arg8[%add3A_9, %dma_start3A] : memref<10112x128xf32, #tpu.memory_space<vmem_shared>> -> memref<128x128xf32, #tpu.memory_space<vmem_shared>>
      %dma_start3A_41 = arith.constant 0 : i32
      %dma_start3A_42 = tpu.memref_slice %arg8[%add3A_9, %dma_start3A_41] : memref<10112x128xf32, #tpu.memory_space<vmem_shared>> -> memref<128x128xf32, #tpu.memory_space<vmem_shared>>
      tpu.enqueue_dma source(%arg7 : memref<128x128xf32, #tpu.memory_space<vmem>>) target(%dma_start3A_42 : memref<128x128xf32, #tpu.memory_space<vmem_shared>>) target_semaphore(%run_scoped3A : memref<!tpu.dma_semaphore, #tpu.memory_space<semaphore_mem>>)
      %dma_wait3A = arith.constant 0 : i32
      %dma_wait3A_43 = tpu.memref_slice %arg8[%add3A_9, %dma_wait3A] : memref<10112x128xf32, #tpu.memory_space<vmem_shared>> -> memref<128x128xf32, #tpu.memory_space<vmem_shared>>
      %dma_wait3A_44 = arith.constant 0 : i32
      %dma_wait3A_45 = tpu.memref_slice %arg8[%add3A_9, %dma_wait3A_44] : memref<10112x128xf32, #tpu.memory_space<vmem_shared>> -> memref<128x128xf32, #tpu.memory_space<vmem_shared>>
      tpu.wait_dma2 semaphore(%run_scoped3A : memref<!tpu.dma_semaphore, #tpu.memory_space<semaphore_mem>>) src(%arg7 : memref<128x128xf32, #tpu.memory_space<vmem>>) dst(%dma_wait3A_45 : memref<128x128xf32, #tpu.memory_space<vmem_shared>>)
      tpu.yield
    }) : () -> ()
    %mul3A_10 = arith.constant 632 : i32
    %mul3A_11 = arith.muli %arg1, %mul3A_10 : i32
    %add3A_12 = arith.constant 384 : i32
    %add3A_13 = arith.addi %mul3A_11, %add3A_12 : i32
    "tpu.region"() ({
      %run_scoped3A = tpu.sem_alloc : memref<!tpu.dma_semaphore, #tpu.memory_space<semaphore_mem>>
      %dma_start3A = arith.constant 0 : i32
      %dma_start3A_40 = tpu.memref_slice %arg8[%add3A_13, %dma_start3A] : memref<10112x128xf32, #tpu.memory_space<vmem_shared>> -> memref<128x128xf32, #tpu.memory_space<vmem_shared>>
      %dma_start3A_41 = arith.constant 0 : i32
      %dma_start3A_42 = tpu.memref_slice %arg8[%add3A_13, %dma_start3A_41] : memref<10112x128xf32, #tpu.memory_space<vmem_shared>> -> memref<128x128xf32, #tpu.memory_space<vmem_shared>>
      tpu.enqueue_dma source(%arg7 : memref<128x128xf32, #tpu.memory_space<vmem>>) target(%dma_start3A_42 : memref<128x128xf32, #tpu.memory_space<vmem_shared>>) target_semaphore(%run_scoped3A : memref<!tpu.dma_semaphore, #tpu.memory_space<semaphore_mem>>)
      %dma_wait3A = arith.constant 0 : i32
      %dma_wait3A_43 = tpu.memref_slice %arg8[%add3A_13, %dma_wait3A] : memref<10112x128xf32, #tpu.memory_space<vmem_shared>> -> memref<128x128xf32, #tpu.memory_space<vmem_shared>>
      %dma_wait3A_44 = arith.constant 0 : i32
      %dma_wait3A_45 = tpu.memref_slice %arg8[%add3A_13, %dma_wait3A_44] : memref<10112x128xf32, #tpu.memory_space<vmem_shared>> -> memref<128x128xf32, #tpu.memory_space<vmem_shared>>
      tpu.wait_dma2 semaphore(%run_scoped3A : memref<!tpu.dma_semaphore, #tpu.memory_space<semaphore_mem>>) src(%arg7 : memref<128x128xf32, #tpu.memory_space<vmem>>) dst(%dma_wait3A_45 : memref<128x128xf32, #tpu.memory_space<vmem_shared>>)
      tpu.yield
    }) : () -> ()
    %mul3A_14 = arith.constant 632 : i32
    %mul3A_15 = arith.muli %arg1, %mul3A_14 : i32
    %add3A_16 = arith.constant 512 : i32
    %add3A_17 = arith.addi %mul3A_15, %add3A_16 : i32
    "tpu.region"() ({
      %run_scoped3A = tpu.sem_alloc : memref<!tpu.dma_semaphore, #tpu.memory_space<semaphore_mem>>
      %dma_start3A = arith.constant 0 : i32
      %dma_start3A_40 = arith.constant 0 : i32
      %dma_start3A_41 = tpu.memref_slice %arg7[%dma_start3A, %dma_start3A_40] : memref<128x128xf32, #tpu.memory_space<vmem>> -> memref<120x128xf32, #tpu.memory_space<vmem>>
      %dma_start3A_42 = arith.constant 0 : i32
      %dma_start3A_43 = tpu.memref_slice %arg8[%add3A_17, %dma_start3A_42] : memref<10112x128xf32, #tpu.memory_space<vmem_shared>> -> memref<120x128xf32, #tpu.memory_space<vmem_shared>>
      %dma_start3A_44 = arith.constant 0 : i32
      %dma_start3A_45 = tpu.memref_slice %arg8[%add3A_17, %dma_start3A_44] : memref<10112x128xf32, #tpu.memory_space<vmem_shared>> -> memref<120x128xf32, #tpu.memory_space<vmem_shared>>
      %dma_start3A_46 = arith.constant 0 : i32
      %dma_start3A_47 = arith.constant 0 : i32
      %dma_start3A_48 = tpu.memref_slice %arg7[%dma_start3A_46, %dma_start3A_47] : memref<128x128xf32, #tpu.memory_space<vmem>> -> memref<120x128xf32, #tpu.memory_space<vmem>>
      tpu.enqueue_dma source(%dma_start3A_48 : memref<120x128xf32, #tpu.memory_space<vmem>>) target(%dma_start3A_45 : memref<120x128xf32, #tpu.memory_space<vmem_shared>>) target_semaphore(%run_scoped3A : memref<!tpu.dma_semaphore, #tpu.memory_space<semaphore_mem>>)
      %dma_wait3A = arith.constant 0 : i32
      %dma_wait3A_49 = arith.constant 0 : i32
      %dma_wait3A_50 = tpu.memref_slice %arg7[%dma_wait3A, %dma_wait3A_49] : memref<128x128xf32, #tpu.memory_space<vmem>> -> memref<120x128xf32, #tpu.memory_space<vmem>>
      %dma_wait3A_51 = arith.constant 0 : i32
      %dma_wait3A_52 = tpu.memref_slice %arg8[%add3A_17, %dma_wait3A_51] : memref<10112x128xf32, #tpu.memory_space<vmem_shared>> -> memref<120x128xf32, #tpu.memory_space<vmem_shared>>
      %dma_wait3A_53 = arith.constant 0 : i32
      %dma_wait3A_54 = tpu.memref_slice %arg8[%add3A_17, %dma_wait3A_53] : memref<10112x128xf32, #tpu.memory_space<vmem_shared>> -> memref<120x128xf32, #tpu.memory_space<vmem_shared>>
      %dma_wait3A_55 = arith.constant 0 : i32
      %dma_wait3A_56 = arith.constant 0 : i32
      %dma_wait3A_57 = tpu.memref_slice %arg7[%dma_wait3A_55, %dma_wait3A_56] : memref<128x128xf32, #tpu.memory_space<vmem>> -> memref<120x128xf32, #tpu.memory_space<vmem>>
      tpu.wait_dma2 semaphore(%run_scoped3A : memref<!tpu.dma_semaphore, #tpu.memory_space<semaphore_mem>>) src(%dma_wait3A_57 : memref<120x128xf32, #tpu.memory_space<vmem>>) dst(%dma_wait3A_54 : memref<120x128xf32, #tpu.memory_space<vmem_shared>>)
      tpu.yield
    }) : () -> ()
    %barrier3A = arith.constant 0 : index
    tpu.barrier barrier_id(%barrier3A)
    %eq3A = arith.constant 0 : i32
    %eq3A_18 = arith.cmpi eq, %arg0, %eq3A : i32
    %jit3A = arith.constant 115 : i32
    %jit3A_19 = arith.constant 43 : i32
    %select_n3A = arith.select %eq3A_18, %jit3A, %jit3A_19 : i32
    %mul3A_20 = arith.constant 16 : i32
    %mul3A_21 = arith.muli %arg0, %mul3A_20 : i32
    %mul3A_22 = arith.constant 115 : i32
    %mul3A_23 = arith.muli %mul3A_21, %mul3A_22 : i32
    %mul3A_24 = arith.muli %arg1, %select_n3A : i32
    %add3A_25 = arith.addi %mul3A_23, %mul3A_24 : i32
    %while3A = arith.constant 0 : i32
    %while3A_26 = arith.constant 0 : i32
    %while3A_27 = arith.subi %select_n3A, %while3A_26 : i32
    %while3A_28 = arith.addi %while3A_26, %while3A_27 : i32
    %while3A_29 = arith.constant 1 : i32
    %while3A_30 = arith.divsi %while3A_27, %while3A_29 : i32
    %while3A_31 = arith.muli %while3A_30, %while3A_29 : i32
    %while3A_32 = arith.addi %while3A_26, %while3A_31 : i32
    %while3A_33 = arith.constant 1 : i32
    scf.for %while3A_40 = %while3A_26 to %while3A_32 step %while3A_33  : i32 {
      %add3A_41 = arith.addi %add3A_25, %while3A_40 : i32
      "tpu.region"() ({
        %run_scoped3A_54 = tpu.sem_alloc : memref<!tpu.dma_semaphore, #tpu.memory_space<semaphore_mem>>
        %dma_start3A_55 = arith.constant 0 : i32
        %dma_start3A_56 = arith.constant 0 : i32
        %dma_start3A_57 = tpu.memref_slice %arg3[%add3A_41, %dma_start3A_55, %dma_start3A_56] : memref<2528x2x128xi32, #tpu.memory_space<hbm>> -> memref<1x2x128xi32, #tpu.memory_space<hbm>>
        %dma_start3A_58 = tpu.memref_squeeze %dma_start3A_57 : memref<1x2x128xi32, #tpu.memory_space<hbm>> -> memref<2x128xi32, #tpu.memory_space<hbm>>
        %dma_start3A_59 = arith.constant 0 : i32
        %dma_start3A_60 = arith.constant 0 : i32
        %dma_start3A_61 = tpu.memref_slice %arg3[%add3A_41, %dma_start3A_59, %dma_start3A_60] : memref<2528x2x128xi32, #tpu.memory_space<hbm>> -> memref<1x2x128xi32, #tpu.memory_space<hbm>>
        %dma_start3A_62 = tpu.memref_squeeze %dma_start3A_61 : memref<1x2x128xi32, #tpu.memory_space<hbm>> -> memref<2x128xi32, #tpu.memory_space<hbm>>
        tpu.enqueue_dma source(%dma_start3A_62 : memref<2x128xi32, #tpu.memory_space<hbm>>) target(%arg6 : memref<2x128xi32, #tpu.memory_space<vmem>>) target_semaphore(%run_scoped3A_54 : memref<!tpu.dma_semaphore, #tpu.memory_space<semaphore_mem>>)
        %dma_wait3A_63 = arith.constant 0 : i32
        %dma_wait3A_64 = arith.constant 0 : i32
        %dma_wait3A_65 = tpu.memref_slice %arg3[%add3A_41, %dma_wait3A_63, %dma_wait3A_64] : memref<2528x2x128xi32, #tpu.memory_space<hbm>> -> memref<1x2x128xi32, #tpu.memory_space<hbm>>
        %dma_wait3A_66 = tpu.memref_squeeze %dma_wait3A_65 : memref<1x2x128xi32, #tpu.memory_space<hbm>> -> memref<2x128xi32, #tpu.memory_space<hbm>>
        %dma_wait3A_67 = arith.constant 0 : i32
        %dma_wait3A_68 = arith.constant 0 : i32
        %dma_wait3A_69 = tpu.memref_slice %arg3[%add3A_41, %dma_wait3A_67, %dma_wait3A_68] : memref<2528x2x128xi32, #tpu.memory_space<hbm>> -> memref<1x2x128xi32, #tpu.memory_space<hbm>>
        %dma_wait3A_70 = tpu.memref_squeeze %dma_wait3A_69 : memref<1x2x128xi32, #tpu.memory_space<hbm>> -> memref<2x128xi32, #tpu.memory_space<hbm>>
        tpu.wait_dma2 semaphore(%run_scoped3A_54 : memref<!tpu.dma_semaphore, #tpu.memory_space<semaphore_mem>>) src(%dma_wait3A_70 : memref<2x128xi32, #tpu.memory_space<hbm>>) dst(%arg6 : memref<2x128xi32, #tpu.memory_space<vmem>>)
        tpu.yield
      }) : () -> ()
      %dma_start3A = arith.constant 0 : i32
      %dma_start3A_42 = arith.constant 0 : i32
      %dma_start3A_43 = tpu.memref_slice %arg6[%dma_start3A, %dma_start3A_42] : memref<2x128xi32, #tpu.memory_space<vmem>> -> memref<1x128xi32, #tpu.memory_space<vmem>>
      %dma_start3A_44 = tpu.memref_squeeze %dma_start3A_43 : memref<1x128xi32, #tpu.memory_space<vmem>> -> memref<128xi32, #tpu.memory_space<vmem>>
      %dma_start3A_45 = arith.constant 0 : i32
      %dma_start3A_46 = arith.constant 0 : i32
      %dma_start3A_47 = tpu.memref_slice %arg2[%dma_start3A_45, %dma_start3A_46] : memref<10000x128xf32, #tpu.memory_space<hbm>> -> memref<10000x128xf32, #tpu.memory_space<hbm>>
      tpu.enqueue_indirect_dma source(%dma_start3A_47 : memref<10000x128xf32, #tpu.memory_space<hbm>>) target(%arg7 : memref<128x128xf32, #tpu.memory_space<vmem>>) offsets(%dma_start3A_44 : memref<128xi32, #tpu.memory_space<vmem>>) semaphore(%arg9 : memref<!tpu.dma_semaphore, #tpu.memory_space<semaphore_mem>>)
      %dma_wait3A = arith.constant 0 : i32
      %dma_wait3A_48 = arith.constant 0 : i32
      %dma_wait3A_49 = tpu.memref_slice %arg6[%dma_wait3A, %dma_wait3A_48] : memref<2x128xi32, #tpu.memory_space<vmem>> -> memref<1x128xi32, #tpu.memory_space<vmem>>
      %dma_wait3A_50 = tpu.memref_squeeze %dma_wait3A_49 : memref<1x128xi32, #tpu.memory_space<vmem>> -> memref<128xi32, #tpu.memory_space<vmem>>
      %dma_wait3A_51 = arith.constant 0 : i32
      %dma_wait3A_52 = arith.constant 0 : i32
      %dma_wait3A_53 = tpu.memref_slice %arg2[%dma_wait3A_51, %dma_wait3A_52] : memref<10000x128xf32, #tpu.memory_space<hbm>> -> memref<10000x128xf32, #tpu.memory_space<hbm>>
      tpu.wait_indirect_dma semaphore(%arg9 : memref<!tpu.dma_semaphore, #tpu.memory_space<semaphore_mem>>) src(%dma_wait3A_53 : memref<10000x128xf32, #tpu.memory_space<hbm>>) dst(%arg7 : memref<128x128xf32, #tpu.memory_space<vmem>>)
      %run_scoped3A = arith.constant 1 : i32
      "tpu.region"() ({
        %run_scoped3A_54 = tpu.sem_alloc : memref<!tpu.dma_semaphore, #tpu.memory_space<semaphore_mem>>
        %dma_start3A_55 = arith.constant 0 : i32
        %dma_start3A_56 = tpu.memref_slice %arg6[%run_scoped3A, %dma_start3A_55] : memref<2x128xi32, #tpu.memory_space<vmem>> -> memref<1x128xi32, #tpu.memory_space<vmem>>
        %dma_start3A_57 = tpu.memref_squeeze %dma_start3A_56 : memref<1x128xi32, #tpu.memory_space<vmem>> -> memref<128xi32, #tpu.memory_space<vmem>>
        %dma_start3A_58 = arith.constant 0 : i32
        %dma_start3A_59 = arith.constant 0 : i32
        %dma_start3A_60 = tpu.memref_slice %arg8[%dma_start3A_58, %dma_start3A_59] : memref<10112x128xf32, #tpu.memory_space<vmem_shared>> -> memref<10112x128xf32, #tpu.memory_space<vmem_shared>>
        tpu.enqueue_indirect_dma source(%arg7 : memref<128x128xf32, #tpu.memory_space<vmem>>) target(%dma_start3A_60 : memref<10112x128xf32, #tpu.memory_space<vmem_shared>>) offsets(%dma_start3A_57 : memref<128xi32, #tpu.memory_space<vmem>>) semaphore(%run_scoped3A_54 : memref<!tpu.dma_semaphore, #tpu.memory_space<semaphore_mem>>) {add = true}
        %dma_wait3A_61 = arith.constant 0 : i32
        %dma_wait3A_62 = tpu.memref_slice %arg6[%run_scoped3A, %dma_wait3A_61] : memref<2x128xi32, #tpu.memory_space<vmem>> -> memref<1x128xi32, #tpu.memory_space<vmem>>
        %dma_wait3A_63 = tpu.memref_squeeze %dma_wait3A_62 : memref<1x128xi32, #tpu.memory_space<vmem>> -> memref<128xi32, #tpu.memory_space<vmem>>
        %dma_wait3A_64 = arith.constant 0 : i32
        %dma_wait3A_65 = arith.constant 0 : i32
        %dma_wait3A_66 = tpu.memref_slice %arg8[%dma_wait3A_64, %dma_wait3A_65] : memref<10112x128xf32, #tpu.memory_space<vmem_shared>> -> memref<10112x128xf32, #tpu.memory_space<vmem_shared>>
        tpu.wait_indirect_dma semaphore(%run_scoped3A_54 : memref<!tpu.dma_semaphore, #tpu.memory_space<semaphore_mem>>) src(%arg7 : memref<128x128xf32, #tpu.memory_space<vmem>>) dst(%dma_wait3A_66 : memref<10112x128xf32, #tpu.memory_space<vmem_shared>>)
        tpu.yield
      }) : () -> ()
    }
    %while3A_34 = arith.constant 1 : i32
    scf.for %while3A_40 = %while3A_32 to %while3A_28 step %while3A_34  : i32 {
      %add3A_41 = arith.addi %add3A_25, %while3A_40 : i32
      "tpu.region"() ({
        %run_scoped3A_54 = tpu.sem_alloc : memref<!tpu.dma_semaphore, #tpu.memory_space<semaphore_mem>>
        %dma_start3A_55 = arith.constant 0 : i32
        %dma_start3A_56 = arith.constant 0 : i32
        %dma_start3A_57 = tpu.memref_slice %arg3[%add3A_41, %dma_start3A_55, %dma_start3A_56] : memref<2528x2x128xi32, #tpu.memory_space<hbm>> -> memref<1x2x128xi32, #tpu.memory_space<hbm>>
        %dma_start3A_58 = tpu.memref_squeeze %dma_start3A_57 : memref<1x2x128xi32, #tpu.memory_space<hbm>> -> memref<2x128xi32, #tpu.memory_space<hbm>>
        %dma_start3A_59 = arith.constant 0 : i32
        %dma_start3A_60 = arith.constant 0 : i32
        %dma_start3A_61 = tpu.memref_slice %arg3[%add3A_41, %dma_start3A_59, %dma_start3A_60] : memref<2528x2x128xi32, #tpu.memory_space<hbm>> -> memref<1x2x128xi32, #tpu.memory_space<hbm>>
        %dma_start3A_62 = tpu.memref_squeeze %dma_start3A_61 : memref<1x2x128xi32, #tpu.memory_space<hbm>> -> memref<2x128xi32, #tpu.memory_space<hbm>>
        tpu.enqueue_dma source(%dma_start3A_62 : memref<2x128xi32, #tpu.memory_space<hbm>>) target(%arg6 : memref<2x128xi32, #tpu.memory_space<vmem>>) target_semaphore(%run_scoped3A_54 : memref<!tpu.dma_semaphore, #tpu.memory_space<semaphore_mem>>)
        %dma_wait3A_63 = arith.constant 0 : i32
        %dma_wait3A_64 = arith.constant 0 : i32
        %dma_wait3A_65 = tpu.memref_slice %arg3[%add3A_41, %dma_wait3A_63, %dma_wait3A_64] : memref<2528x2x128xi32, #tpu.memory_space<hbm>> -> memref<1x2x128xi32, #tpu.memory_space<hbm>>
        %dma_wait3A_66 = tpu.memref_squeeze %dma_wait3A_65 : memref<1x2x128xi32, #tpu.memory_space<hbm>> -> memref<2x128xi32, #tpu.memory_space<hbm>>
        %dma_wait3A_67 = arith.constant 0 : i32
        %dma_wait3A_68 = arith.constant 0 : i32
        %dma_wait3A_69 = tpu.memref_slice %arg3[%add3A_41, %dma_wait3A_67, %dma_wait3A_68] : memref<2528x2x128xi32, #tpu.memory_space<hbm>> -> memref<1x2x128xi32, #tpu.memory_space<hbm>>
        %dma_wait3A_70 = tpu.memref_squeeze %dma_wait3A_69 : memref<1x2x128xi32, #tpu.memory_space<hbm>> -> memref<2x128xi32, #tpu.memory_space<hbm>>
        tpu.wait_dma2 semaphore(%run_scoped3A_54 : memref<!tpu.dma_semaphore, #tpu.memory_space<semaphore_mem>>) src(%dma_wait3A_70 : memref<2x128xi32, #tpu.memory_space<hbm>>) dst(%arg6 : memref<2x128xi32, #tpu.memory_space<vmem>>)
        tpu.yield
      }) : () -> ()
      %dma_start3A = arith.constant 0 : i32
      %dma_start3A_42 = arith.constant 0 : i32
      %dma_start3A_43 = tpu.memref_slice %arg6[%dma_start3A, %dma_start3A_42] : memref<2x128xi32, #tpu.memory_space<vmem>> -> memref<1x128xi32, #tpu.memory_space<vmem>>
      %dma_start3A_44 = tpu.memref_squeeze %dma_start3A_43 : memref<1x128xi32, #tpu.memory_space<vmem>> -> memref<128xi32, #tpu.memory_space<vmem>>
      %dma_start3A_45 = arith.constant 0 : i32
      %dma_start3A_46 = arith.constant 0 : i32
      %dma_start3A_47 = tpu.memref_slice %arg2[%dma_start3A_45, %dma_start3A_46] : memref<10000x128xf32, #tpu.memory_space<hbm>> -> memref<10000x128xf32, #tpu.memory_space<hbm>>
      tpu.enqueue_indirect_dma source(%dma_start3A_47 : memref<10000x128xf32, #tpu.memory_space<hbm>>) target(%arg7 : memref<128x128xf32, #tpu.memory_space<vmem>>) offsets(%dma_start3A_44 : memref<128xi32, #tpu.memory_space<vmem>>) semaphore(%arg9 : memref<!tpu.dma_semaphore, #tpu.memory_space<semaphore_mem>>)
      %dma_wait3A = arith.constant 0 : i32
      %dma_wait3A_48 = arith.constant 0 : i32
      %dma_wait3A_49 = tpu.memref_slice %arg6[%dma_wait3A, %dma_wait3A_48] : memref<2x128xi32, #tpu.memory_space<vmem>> -> memref<1x128xi32, #tpu.memory_space<vmem>>
      %dma_wait3A_50 = tpu.memref_squeeze %dma_wait3A_49 : memref<1x128xi32, #tpu.memory_space<vmem>> -> memref<128xi32, #tpu.memory_space<vmem>>
      %dma_wait3A_51 = arith.constant 0 : i32
      %dma_wait3A_52 = arith.constant 0 : i32
      %dma_wait3A_53 = tpu.memref_slice %arg2[%dma_wait3A_51, %dma_wait3A_52] : memref<10000x128xf32, #tpu.memory_space<hbm>> -> memref<10000x128xf32, #tpu.memory_space<hbm>>
      tpu.wait_indirect_dma semaphore(%arg9 : memref<!tpu.dma_semaphore, #tpu.memory_space<semaphore_mem>>) src(%dma_wait3A_53 : memref<10000x128xf32, #tpu.memory_space<hbm>>) dst(%arg7 : memref<128x128xf32, #tpu.memory_space<vmem>>)
      %run_scoped3A = arith.constant 1 : i32
      "tpu.region"() ({
        %run_scoped3A_54 = tpu.sem_alloc : memref<!tpu.dma_semaphore, #tpu.memory_space<semaphore_mem>>
        %dma_start3A_55 = arith.constant 0 : i32
        %dma_start3A_56 = tpu.memref_slice %arg6[%run_scoped3A, %dma_start3A_55] : memref<2x128xi32, #tpu.memory_space<vmem>> -> memref<1x128xi32, #tpu.memory_space<vmem>>
        %dma_start3A_57 = tpu.memref_squeeze %dma_start3A_56 : memref<1x128xi32, #tpu.memory_space<vmem>> -> memref<128xi32, #tpu.memory_space<vmem>>
        %dma_start3A_58 = arith.constant 0 : i32
        %dma_start3A_59 = arith.constant 0 : i32
        %dma_start3A_60 = tpu.memref_slice %arg8[%dma_start3A_58, %dma_start3A_59] : memref<10112x128xf32, #tpu.memory_space<vmem_shared>> -> memref<10112x128xf32, #tpu.memory_space<vmem_shared>>
        tpu.enqueue_indirect_dma source(%arg7 : memref<128x128xf32, #tpu.memory_space<vmem>>) target(%dma_start3A_60 : memref<10112x128xf32, #tpu.memory_space<vmem_shared>>) offsets(%dma_start3A_57 : memref<128xi32, #tpu.memory_space<vmem>>) semaphore(%run_scoped3A_54 : memref<!tpu.dma_semaphore, #tpu.memory_space<semaphore_mem>>) {add = true}
        %dma_wait3A_61 = arith.constant 0 : i32
        %dma_wait3A_62 = tpu.memref_slice %arg6[%run_scoped3A, %dma_wait3A_61] : memref<2x128xi32, #tpu.memory_space<vmem>> -> memref<1x128xi32, #tpu.memory_space<vmem>>
        %dma_wait3A_63 = tpu.memref_squeeze %dma_wait3A_62 : memref<1x128xi32, #tpu.memory_space<vmem>> -> memref<128xi32, #tpu.memory_space<vmem>>
        %dma_wait3A_64 = arith.constant 0 : i32
        %dma_wait3A_65 = arith.constant 0 : i32
        %dma_wait3A_66 = tpu.memref_slice %arg8[%dma_wait3A_64, %dma_wait3A_65] : memref<10112x128xf32, #tpu.memory_space<vmem_shared>> -> memref<10112x128xf32, #tpu.memory_space<vmem_shared>>
        tpu.wait_indirect_dma semaphore(%run_scoped3A_54 : memref<!tpu.dma_semaphore, #tpu.memory_space<semaphore_mem>>) src(%arg7 : memref<128x128xf32, #tpu.memory_space<vmem>>) dst(%dma_wait3A_66 : memref<10112x128xf32, #tpu.memory_space<vmem_shared>>)
        tpu.yield
      }) : () -> ()
    }
    %barrier3A_35 = arith.constant 0 : index
    tpu.barrier barrier_id(%barrier3A_35)
    %mul3A_36 = arith.constant 632 : i32
    %mul3A_37 = arith.muli %arg1, %mul3A_36 : i32
    %mul3A_38 = arith.constant 632 : i32
    %mul3A_39 = arith.muli %arg1, %mul3A_38 : i32
    "tpu.region"() ({
      %run_scoped3A = tpu.sem_alloc : memref<!tpu.dma_semaphore, #tpu.memory_space<semaphore_mem>>
      %dma_start3A = arith.constant 0 : i32
      %dma_start3A_40 = tpu.memref_slice %arg5[%arg0, %mul3A_39, %dma_start3A] : memref<2x10112x128xf32, #tpu.memory_space<hbm>> -> memref<1x632x128xf32, #tpu.memory_space<hbm>>
      %dma_start3A_41 = tpu.memref_squeeze %dma_start3A_40 : memref<1x632x128xf32, #tpu.memory_space<hbm>> -> memref<632x128xf32, #tpu.memory_space<hbm>>
      %dma_start3A_42 = arith.constant 0 : i32
      %dma_start3A_43 = tpu.memref_slice %arg8[%mul3A_37, %dma_start3A_42] : memref<10112x128xf32, #tpu.memory_space<vmem_shared>> -> memref<632x128xf32, #tpu.memory_space<vmem_shared>>
      tpu.enqueue_dma source(%dma_start3A_43 : memref<632x128xf32, #tpu.memory_space<vmem_shared>>) target(%dma_start3A_41 : memref<632x128xf32, #tpu.memory_space<hbm>>) target_semaphore(%run_scoped3A : memref<!tpu.dma_semaphore, #tpu.memory_space<semaphore_mem>>)
      %dma_wait3A = arith.constant 0 : i32
      %dma_wait3A_44 = tpu.memref_slice %arg5[%arg0, %mul3A_39, %dma_wait3A] : memref<2x10112x128xf32, #tpu.memory_space<hbm>> -> memref<1x632x128xf32, #tpu.memory_space<hbm>>
      %dma_wait3A_45 = tpu.memref_squeeze %dma_wait3A_44 : memref<1x632x128xf32, #tpu.memory_space<hbm>> -> memref<632x128xf32, #tpu.memory_space<hbm>>
      %dma_wait3A_46 = arith.constant 0 : i32
      %dma_wait3A_47 = tpu.memref_slice %arg8[%mul3A_37, %dma_wait3A_46] : memref<10112x128xf32, #tpu.memory_space<vmem_shared>> -> memref<632x128xf32, #tpu.memory_space<vmem_shared>>
      tpu.wait_dma2 semaphore(%run_scoped3A : memref<!tpu.dma_semaphore, #tpu.memory_space<semaphore_mem>>) src(%dma_wait3A_47 : memref<632x128xf32, #tpu.memory_space<vmem_shared>>) dst(%dma_wait3A_45 : memref<632x128xf32, #tpu.memory_space<hbm>>)
      tpu.yield
    }) : () -> ()
    return
  }
}

#map = affine_map<(d0, d1) -> (0, 0)>
#map1 = affine_map<(d0, d1) -> (0, 0, 0)>
module attributes {stable_mosaic.version = 14 : i64} {
  func.func @agg(%arg0: i32, %arg1: i32, %arg2: memref<10000x128xf32, #tpu.memory_space<hbm>>, %arg3: memref<2528x2x128xi32, #tpu.memory_space<hbm>>, %arg4: memref<128x128xf32, #tpu.memory_space<hbm>>, %arg5: memref<2x10112x128xf32, #tpu.memory_space<hbm>>, %arg6: memref<2x128xi32, #tpu.memory_space<vmem>>, %arg7: memref<128x128xf32, #tpu.memory_space<vmem>>, %arg8: memref<10112x128xf32, #tpu.memory_space<vmem_shared>>, %arg9: memref<!tpu.dma_semaphore, #tpu.memory_space<semaphore_mem>>) attributes {dimension_semantics = [#tpu.dimension_semantics<core_parallel>, #tpu.dimension_semantics<subcore_parallel>], iteration_bounds = array<i64: 2, 16>, scalar_prefetch = 0 : i64, scratch_operands = 4 : i64, tpu.core_type = #tpu.core_type<sc_vector_subcore>, window_params = [{transform_indices = #map}, {transform_indices = #map1}, {transform_indices = #map}, {transform_indices = #map1}]} {
    "tpu.region"() ({
      %run_scoped3A = tpu.sem_alloc : memref<!tpu.dma_semaphore, #tpu.memory_space<semaphore_mem>>
      tpu.enqueue_dma source(%arg4 : memref<128x128xf32, #tpu.memory_space<hbm>>) target(%arg7 : memref<128x128xf32, #tpu.memory_space<vmem>>) target_semaphore(%run_scoped3A : memref<!tpu.dma_semaphore, #tpu.memory_space<semaphore_mem>>)
      tpu.wait_dma2 semaphore(%run_scoped3A : memref<!tpu.dma_semaphore, #tpu.memory_space<semaphore_mem>>) src(%arg4 : memref<128x128xf32, #tpu.memory_space<hbm>>) dst(%arg7 : memref<128x128xf32, #tpu.memory_space<vmem>>)
      tpu.yield
    }) : () -> ()
    %mul3A = arith.constant 632 : i32
    %mul3A_0 = arith.muli %arg1, %mul3A : i32
    %add3A = arith.constant 0 : i32
    %add3A_1 = arith.addi %mul3A_0, %add3A : i32
    "tpu.region"() ({
      %run_scoped3A = tpu.sem_alloc : memref<!tpu.dma_semaphore, #tpu.memory_space<semaphore_mem>>
      %dma_start3A = arith.constant 0 : i32
      %dma_start3A_40 = tpu.memref_slice %arg8[%add3A_1, %dma_start3A] : memref<10112x128xf32, #tpu.memory_space<vmem_shared>> -> memref<128x128xf32, #tpu.memory_space<vmem_shared>>
      %dma_start3A_41 = arith.constant 0 : i32
      %dma_start3A_42 = tpu.memref_slice %arg8[%add3A_1, %dma_start3A_41] : memref<10112x128xf32, #tpu.memory_space<vmem_shared>> -> memref<128x128xf32, #tpu.memory_space<vmem_shared>>
      tpu.enqueue_dma source(%arg7 : memref<128x128xf32, #tpu.memory_space<vmem>>) target(%dma_start3A_42 : memref<128x128xf32, #tpu.memory_space<vmem_shared>>) target_semaphore(%run_scoped3A : memref<!tpu.dma_semaphore, #tpu.memory_space<semaphore_mem>>)
      %dma_wait3A = arith.constant 0 : i32
      %dma_wait3A_43 = tpu.memref_slice %arg8[%add3A_1, %dma_wait3A] : memref<10112x128xf32, #tpu.memory_space<vmem_shared>> -> memref<128x128xf32, #tpu.memory_space<vmem_shared>>
      %dma_wait3A_44 = arith.constant 0 : i32
      %dma_wait3A_45 = tpu.memref_slice %arg8[%add3A_1, %dma_wait3A_44] : memref<10112x128xf32, #tpu.memory_space<vmem_shared>> -> memref<128x128xf32, #tpu.memory_space<vmem_shared>>
      tpu.wait_dma2 semaphore(%run_scoped3A : memref<!tpu.dma_semaphore, #tpu.memory_space<semaphore_mem>>) src(%arg7 : memref<128x128xf32, #tpu.memory_space<vmem>>) dst(%dma_wait3A_45 : memref<128x128xf32, #tpu.memory_space<vmem_shared>>)
      tpu.yield
    }) : () -> ()
    %mul3A_2 = arith.constant 632 : i32
    %mul3A_3 = arith.muli %arg1, %mul3A_2 : i32
    %add3A_4 = arith.constant 128 : i32
    %add3A_5 = arith.addi %mul3A_3, %add3A_4 : i32
    "tpu.region"() ({
      %run_scoped3A = tpu.sem_alloc : memref<!tpu.dma_semaphore, #tpu.memory_space<semaphore_mem>>
      %dma_start3A = arith.constant 0 : i32
      %dma_start3A_40 = tpu.memref_slice %arg8[%add3A_5, %dma_start3A] : memref<10112x128xf32, #tpu.memory_space<vmem_shared>> -> memref<128x128xf32, #tpu.memory_space<vmem_shared>>
      %dma_start3A_41 = arith.constant 0 : i32
      %dma_start3A_42 = tpu.memref_slice %arg8[%add3A_5, %dma_start3A_41] : memref<10112x128xf32, #tpu.memory_space<vmem_shared>> -> memref<128x128xf32, #tpu.memory_space<vmem_shared>>
      tpu.enqueue_dma source(%arg7 : memref<128x128xf32, #tpu.memory_space<vmem>>) target(%dma_start3A_42 : memref<128x128xf32, #tpu.memory_space<vmem_shared>>) target_semaphore(%run_scoped3A : memref<!tpu.dma_semaphore, #tpu.memory_space<semaphore_mem>>)
      %dma_wait3A = arith.constant 0 : i32
      %dma_wait3A_43 = tpu.memref_slice %arg8[%add3A_5, %dma_wait3A] : memref<10112x128xf32, #tpu.memory_space<vmem_shared>> -> memref<128x128xf32, #tpu.memory_space<vmem_shared>>
      %dma_wait3A_44 = arith.constant 0 : i32
      %dma_wait3A_45 = tpu.memref_slice %arg8[%add3A_5, %dma_wait3A_44] : memref<10112x128xf32, #tpu.memory_space<vmem_shared>> -> memref<128x128xf32, #tpu.memory_space<vmem_shared>>
      tpu.wait_dma2 semaphore(%run_scoped3A : memref<!tpu.dma_semaphore, #tpu.memory_space<semaphore_mem>>) src(%arg7 : memref<128x128xf32, #tpu.memory_space<vmem>>) dst(%dma_wait3A_45 : memref<128x128xf32, #tpu.memory_space<vmem_shared>>)
      tpu.yield
    }) : () -> ()
    %mul3A_6 = arith.constant 632 : i32
    %mul3A_7 = arith.muli %arg1, %mul3A_6 : i32
    %add3A_8 = arith.constant 256 : i32
    %add3A_9 = arith.addi %mul3A_7, %add3A_8 : i32
    "tpu.region"() ({
      %run_scoped3A = tpu.sem_alloc : memref<!tpu.dma_semaphore, #tpu.memory_space<semaphore_mem>>
      %dma_start3A = arith.constant 0 : i32
      %dma_start3A_40 = tpu.memref_slice %arg8[%add3A_9, %dma_start3A] : memref<10112x128xf32, #tpu.memory_space<vmem_shared>> -> memref<128x128xf32, #tpu.memory_space<vmem_shared>>
      %dma_start3A_41 = arith.constant 0 : i32
      %dma_start3A_42 = tpu.memref_slice %arg8[%add3A_9, %dma_start3A_41] : memref<10112x128xf32, #tpu.memory_space<vmem_shared>> -> memref<128x128xf32, #tpu.memory_space<vmem_shared>>
      tpu.enqueue_dma source(%arg7 : memref<128x128xf32, #tpu.memory_space<vmem>>) target(%dma_start3A_42 : memref<128x128xf32, #tpu.memory_space<vmem_shared>>) target_semaphore(%run_scoped3A : memref<!tpu.dma_semaphore, #tpu.memory_space<semaphore_mem>>)
      %dma_wait3A = arith.constant 0 : i32
      %dma_wait3A_43 = tpu.memref_slice %arg8[%add3A_9, %dma_wait3A] : memref<10112x128xf32, #tpu.memory_space<vmem_shared>> -> memref<128x128xf32, #tpu.memory_space<vmem_shared>>
      %dma_wait3A_44 = arith.constant 0 : i32
      %dma_wait3A_45 = tpu.memref_slice %arg8[%add3A_9, %dma_wait3A_44] : memref<10112x128xf32, #tpu.memory_space<vmem_shared>> -> memref<128x128xf32, #tpu.memory_space<vmem_shared>>
      tpu.wait_dma2 semaphore(%run_scoped3A : memref<!tpu.dma_semaphore, #tpu.memory_space<semaphore_mem>>) src(%arg7 : memref<128x128xf32, #tpu.memory_space<vmem>>) dst(%dma_wait3A_45 : memref<128x128xf32, #tpu.memory_space<vmem_shared>>)
      tpu.yield
    }) : () -> ()
    %mul3A_10 = arith.constant 632 : i32
    %mul3A_11 = arith.muli %arg1, %mul3A_10 : i32
    %add3A_12 = arith.constant 384 : i32
    %add3A_13 = arith.addi %mul3A_11, %add3A_12 : i32
    "tpu.region"() ({
      %run_scoped3A = tpu.sem_alloc : memref<!tpu.dma_semaphore, #tpu.memory_space<semaphore_mem>>
      %dma_start3A = arith.constant 0 : i32
      %dma_start3A_40 = tpu.memref_slice %arg8[%add3A_13, %dma_start3A] : memref<10112x128xf32, #tpu.memory_space<vmem_shared>> -> memref<128x128xf32, #tpu.memory_space<vmem_shared>>
      %dma_start3A_41 = arith.constant 0 : i32
      %dma_start3A_42 = tpu.memref_slice %arg8[%add3A_13, %dma_start3A_41] : memref<10112x128xf32, #tpu.memory_space<vmem_shared>> -> memref<128x128xf32, #tpu.memory_space<vmem_shared>>
      tpu.enqueue_dma source(%arg7 : memref<128x128xf32, #tpu.memory_space<vmem>>) target(%dma_start3A_42 : memref<128x128xf32, #tpu.memory_space<vmem_shared>>) target_semaphore(%run_scoped3A : memref<!tpu.dma_semaphore, #tpu.memory_space<semaphore_mem>>)
      %dma_wait3A = arith.constant 0 : i32
      %dma_wait3A_43 = tpu.memref_slice %arg8[%add3A_13, %dma_wait3A] : memref<10112x128xf32, #tpu.memory_space<vmem_shared>> -> memref<128x128xf32, #tpu.memory_space<vmem_shared>>
      %dma_wait3A_44 = arith.constant 0 : i32
      %dma_wait3A_45 = tpu.memref_slice %arg8[%add3A_13, %dma_wait3A_44] : memref<10112x128xf32, #tpu.memory_space<vmem_shared>> -> memref<128x128xf32, #tpu.memory_space<vmem_shared>>
      tpu.wait_dma2 semaphore(%run_scoped3A : memref<!tpu.dma_semaphore, #tpu.memory_space<semaphore_mem>>) src(%arg7 : memref<128x128xf32, #tpu.memory_space<vmem>>) dst(%dma_wait3A_45 : memref<128x128xf32, #tpu.memory_space<vmem_shared>>)
      tpu.yield
    }) : () -> ()
    %mul3A_14 = arith.constant 632 : i32
    %mul3A_15 = arith.muli %arg1, %mul3A_14 : i32
    %add3A_16 = arith.constant 512 : i32
    %add3A_17 = arith.addi %mul3A_15, %add3A_16 : i32
    "tpu.region"() ({
      %run_scoped3A = tpu.sem_alloc : memref<!tpu.dma_semaphore, #tpu.memory_space<semaphore_mem>>
      %dma_start3A = arith.constant 0 : i32
      %dma_start3A_40 = arith.constant 0 : i32
      %dma_start3A_41 = tpu.memref_slice %arg7[%dma_start3A, %dma_start3A_40] : memref<128x128xf32, #tpu.memory_space<vmem>> -> memref<120x128xf32, #tpu.memory_space<vmem>>
      %dma_start3A_42 = arith.constant 0 : i32
      %dma_start3A_43 = tpu.memref_slice %arg8[%add3A_17, %dma_start3A_42] : memref<10112x128xf32, #tpu.memory_space<vmem_shared>> -> memref<120x128xf32, #tpu.memory_space<vmem_shared>>
      %dma_start3A_44 = arith.constant 0 : i32
      %dma_start3A_45 = tpu.memref_slice %arg8[%add3A_17, %dma_start3A_44] : memref<10112x128xf32, #tpu.memory_space<vmem_shared>> -> memref<120x128xf32, #tpu.memory_space<vmem_shared>>
      %dma_start3A_46 = arith.constant 0 : i32
      %dma_start3A_47 = arith.constant 0 : i32
      %dma_start3A_48 = tpu.memref_slice %arg7[%dma_start3A_46, %dma_start3A_47] : memref<128x128xf32, #tpu.memory_space<vmem>> -> memref<120x128xf32, #tpu.memory_space<vmem>>
      tpu.enqueue_dma source(%dma_start3A_48 : memref<120x128xf32, #tpu.memory_space<vmem>>) target(%dma_start3A_45 : memref<120x128xf32, #tpu.memory_space<vmem_shared>>) target_semaphore(%run_scoped3A : memref<!tpu.dma_semaphore, #tpu.memory_space<semaphore_mem>>)
      %dma_wait3A = arith.constant 0 : i32
      %dma_wait3A_49 = arith.constant 0 : i32
      %dma_wait3A_50 = tpu.memref_slice %arg7[%dma_wait3A, %dma_wait3A_49] : memref<128x128xf32, #tpu.memory_space<vmem>> -> memref<120x128xf32, #tpu.memory_space<vmem>>
      %dma_wait3A_51 = arith.constant 0 : i32
      %dma_wait3A_52 = tpu.memref_slice %arg8[%add3A_17, %dma_wait3A_51] : memref<10112x128xf32, #tpu.memory_space<vmem_shared>> -> memref<120x128xf32, #tpu.memory_space<vmem_shared>>
      %dma_wait3A_53 = arith.constant 0 : i32
      %dma_wait3A_54 = tpu.memref_slice %arg8[%add3A_17, %dma_wait3A_53] : memref<10112x128xf32, #tpu.memory_space<vmem_shared>> -> memref<120x128xf32, #tpu.memory_space<vmem_shared>>
      %dma_wait3A_55 = arith.constant 0 : i32
      %dma_wait3A_56 = arith.constant 0 : i32
      %dma_wait3A_57 = tpu.memref_slice %arg7[%dma_wait3A_55, %dma_wait3A_56] : memref<128x128xf32, #tpu.memory_space<vmem>> -> memref<120x128xf32, #tpu.memory_space<vmem>>
      tpu.wait_dma2 semaphore(%run_scoped3A : memref<!tpu.dma_semaphore, #tpu.memory_space<semaphore_mem>>) src(%dma_wait3A_57 : memref<120x128xf32, #tpu.memory_space<vmem>>) dst(%dma_wait3A_54 : memref<120x128xf32, #tpu.memory_space<vmem_shared>>)
      tpu.yield
    }) : () -> ()
    %barrier3A = arith.constant 0 : index
    tpu.barrier barrier_id(%barrier3A)
    %eq3A = arith.constant 0 : i32
    %eq3A_18 = arith.cmpi eq, %arg0, %eq3A : i32
    %jit3A = arith.constant 115 : i32
    %jit3A_19 = arith.constant 43 : i32
    %select_n3A = arith.select %eq3A_18, %jit3A, %jit3A_19 : i32
    %mul3A_20 = arith.constant 16 : i32
    %mul3A_21 = arith.muli %arg0, %mul3A_20 : i32
    %mul3A_22 = arith.constant 115 : i32
    %mul3A_23 = arith.muli %mul3A_21, %mul3A_22 : i32
    %mul3A_24 = arith.muli %arg1, %select_n3A : i32
    %add3A_25 = arith.addi %mul3A_23, %mul3A_24 : i32
    %while3A = arith.constant 0 : i32
    %while3A_26 = arith.constant 0 : i32
    %while3A_27 = arith.subi %select_n3A, %while3A_26 : i32
    %while3A_28 = arith.addi %while3A_26, %while3A_27 : i32
    %while3A_29 = arith.constant 1 : i32
    %while3A_30 = arith.divsi %while3A_27, %while3A_29 : i32
    %while3A_31 = arith.muli %while3A_30, %while3A_29 : i32
    %while3A_32 = arith.addi %while3A_26, %while3A_31 : i32
    %while3A_33 = arith.constant 1 : i32
    scf.for %while3A_40 = %while3A_26 to %while3A_32 step %while3A_33  : i32 {
      %add3A_41 = arith.addi %add3A_25, %while3A_40 : i32
      "tpu.region"() ({
        %run_scoped3A_54 = tpu.sem_alloc : memref<!tpu.dma_semaphore, #tpu.memory_space<semaphore_mem>>
        %dma_start3A_55 = arith.constant 0 : i32
        %dma_start3A_56 = arith.constant 0 : i32
        %dma_start3A_57 = tpu.memref_slice %arg3[%add3A_41, %dma_start3A_55, %dma_start3A_56] : memref<2528x2x128xi32, #tpu.memory_space<hbm>> -> memref<1x2x128xi32, #tpu.memory_space<hbm>>
        %dma_start3A_58 = tpu.memref_squeeze %dma_start3A_57 : memref<1x2x128xi32, #tpu.memory_space<hbm>> -> memref<2x128xi32, #tpu.memory_space<hbm>>
        %dma_start3A_59 = arith.constant 0 : i32
        %dma_start3A_60 = arith.constant 0 : i32
        %dma_start3A_61 = tpu.memref_slice %arg3[%add3A_41, %dma_start3A_59, %dma_start3A_60] : memref<2528x2x128xi32, #tpu.memory_space<hbm>> -> memref<1x2x128xi32, #tpu.memory_space<hbm>>
        %dma_start3A_62 = tpu.memref_squeeze %dma_start3A_61 : memref<1x2x128xi32, #tpu.memory_space<hbm>> -> memref<2x128xi32, #tpu.memory_space<hbm>>
        tpu.enqueue_dma source(%dma_start3A_62 : memref<2x128xi32, #tpu.memory_space<hbm>>) target(%arg6 : memref<2x128xi32, #tpu.memory_space<vmem>>) target_semaphore(%run_scoped3A_54 : memref<!tpu.dma_semaphore, #tpu.memory_space<semaphore_mem>>)
        %dma_wait3A_63 = arith.constant 0 : i32
        %dma_wait3A_64 = arith.constant 0 : i32
        %dma_wait3A_65 = tpu.memref_slice %arg3[%add3A_41, %dma_wait3A_63, %dma_wait3A_64] : memref<2528x2x128xi32, #tpu.memory_space<hbm>> -> memref<1x2x128xi32, #tpu.memory_space<hbm>>
        %dma_wait3A_66 = tpu.memref_squeeze %dma_wait3A_65 : memref<1x2x128xi32, #tpu.memory_space<hbm>> -> memref<2x128xi32, #tpu.memory_space<hbm>>
        %dma_wait3A_67 = arith.constant 0 : i32
        %dma_wait3A_68 = arith.constant 0 : i32
        %dma_wait3A_69 = tpu.memref_slice %arg3[%add3A_41, %dma_wait3A_67, %dma_wait3A_68] : memref<2528x2x128xi32, #tpu.memory_space<hbm>> -> memref<1x2x128xi32, #tpu.memory_space<hbm>>
        %dma_wait3A_70 = tpu.memref_squeeze %dma_wait3A_69 : memref<1x2x128xi32, #tpu.memory_space<hbm>> -> memref<2x128xi32, #tpu.memory_space<hbm>>
        tpu.wait_dma2 semaphore(%run_scoped3A_54 : memref<!tpu.dma_semaphore, #tpu.memory_space<semaphore_mem>>) src(%dma_wait3A_70 : memref<2x128xi32, #tpu.memory_space<hbm>>) dst(%arg6 : memref<2x128xi32, #tpu.memory_space<vmem>>)
        tpu.yield
      }) : () -> ()
      %dma_start3A = arith.constant 0 : i32
      %dma_start3A_42 = arith.constant 0 : i32
      %dma_start3A_43 = tpu.memref_slice %arg6[%dma_start3A, %dma_start3A_42] : memref<2x128xi32, #tpu.memory_space<vmem>> -> memref<1x128xi32, #tpu.memory_space<vmem>>
      %dma_start3A_44 = tpu.memref_squeeze %dma_start3A_43 : memref<1x128xi32, #tpu.memory_space<vmem>> -> memref<128xi32, #tpu.memory_space<vmem>>
      %dma_start3A_45 = arith.constant 0 : i32
      %dma_start3A_46 = arith.constant 0 : i32
      %dma_start3A_47 = tpu.memref_slice %arg2[%dma_start3A_45, %dma_start3A_46] : memref<10000x128xf32, #tpu.memory_space<hbm>> -> memref<10000x128xf32, #tpu.memory_space<hbm>>
      tpu.enqueue_indirect_dma source(%dma_start3A_47 : memref<10000x128xf32, #tpu.memory_space<hbm>>) target(%arg7 : memref<128x128xf32, #tpu.memory_space<vmem>>) offsets(%dma_start3A_44 : memref<128xi32, #tpu.memory_space<vmem>>) semaphore(%arg9 : memref<!tpu.dma_semaphore, #tpu.memory_space<semaphore_mem>>)
      %dma_wait3A = arith.constant 0 : i32
      %dma_wait3A_48 = arith.constant 0 : i32
      %dma_wait3A_49 = tpu.memref_slice %arg6[%dma_wait3A, %dma_wait3A_48] : memref<2x128xi32, #tpu.memory_space<vmem>> -> memref<1x128xi32, #tpu.memory_space<vmem>>
      %dma_wait3A_50 = tpu.memref_squeeze %dma_wait3A_49 : memref<1x128xi32, #tpu.memory_space<vmem>> -> memref<128xi32, #tpu.memory_space<vmem>>
      %dma_wait3A_51 = arith.constant 0 : i32
      %dma_wait3A_52 = arith.constant 0 : i32
      %dma_wait3A_53 = tpu.memref_slice %arg2[%dma_wait3A_51, %dma_wait3A_52] : memref<10000x128xf32, #tpu.memory_space<hbm>> -> memref<10000x128xf32, #tpu.memory_space<hbm>>
      tpu.wait_indirect_dma semaphore(%arg9 : memref<!tpu.dma_semaphore, #tpu.memory_space<semaphore_mem>>) src(%dma_wait3A_53 : memref<10000x128xf32, #tpu.memory_space<hbm>>) dst(%arg7 : memref<128x128xf32, #tpu.memory_space<vmem>>)
      %run_scoped3A = arith.constant 1 : i32
      "tpu.region"() ({
        %run_scoped3A_54 = tpu.sem_alloc : memref<!tpu.dma_semaphore, #tpu.memory_space<semaphore_mem>>
        %dma_start3A_55 = arith.constant 0 : i32
        %dma_start3A_56 = tpu.memref_slice %arg6[%run_scoped3A, %dma_start3A_55] : memref<2x128xi32, #tpu.memory_space<vmem>> -> memref<1x128xi32, #tpu.memory_space<vmem>>
        %dma_start3A_57 = tpu.memref_squeeze %dma_start3A_56 : memref<1x128xi32, #tpu.memory_space<vmem>> -> memref<128xi32, #tpu.memory_space<vmem>>
        %dma_start3A_58 = arith.constant 0 : i32
        %dma_start3A_59 = arith.constant 0 : i32
        %dma_start3A_60 = tpu.memref_slice %arg8[%dma_start3A_58, %dma_start3A_59] : memref<10112x128xf32, #tpu.memory_space<vmem_shared>> -> memref<10112x128xf32, #tpu.memory_space<vmem_shared>>
        tpu.enqueue_indirect_dma source(%arg7 : memref<128x128xf32, #tpu.memory_space<vmem>>) target(%dma_start3A_60 : memref<10112x128xf32, #tpu.memory_space<vmem_shared>>) offsets(%dma_start3A_57 : memref<128xi32, #tpu.memory_space<vmem>>) semaphore(%run_scoped3A_54 : memref<!tpu.dma_semaphore, #tpu.memory_space<semaphore_mem>>) {add = true}
        %dma_wait3A_61 = arith.constant 0 : i32
        %dma_wait3A_62 = tpu.memref_slice %arg6[%run_scoped3A, %dma_wait3A_61] : memref<2x128xi32, #tpu.memory_space<vmem>> -> memref<1x128xi32, #tpu.memory_space<vmem>>
        %dma_wait3A_63 = tpu.memref_squeeze %dma_wait3A_62 : memref<1x128xi32, #tpu.memory_space<vmem>> -> memref<128xi32, #tpu.memory_space<vmem>>
        %dma_wait3A_64 = arith.constant 0 : i32
        %dma_wait3A_65 = arith.constant 0 : i32
        %dma_wait3A_66 = tpu.memref_slice %arg8[%dma_wait3A_64, %dma_wait3A_65] : memref<10112x128xf32, #tpu.memory_space<vmem_shared>> -> memref<10112x128xf32, #tpu.memory_space<vmem_shared>>
        tpu.wait_indirect_dma semaphore(%run_scoped3A_54 : memref<!tpu.dma_semaphore, #tpu.memory_space<semaphore_mem>>) src(%arg7 : memref<128x128xf32, #tpu.memory_space<vmem>>) dst(%dma_wait3A_66 : memref<10112x128xf32, #tpu.memory_space<vmem_shared>>)
        tpu.yield
      }) : () -> ()
    }
    %while3A_34 = arith.constant 1 : i32
    scf.for %while3A_40 = %while3A_32 to %while3A_28 step %while3A_34  : i32 {
      %add3A_41 = arith.addi %add3A_25, %while3A_40 : i32
      "tpu.region"() ({
        %run_scoped3A_54 = tpu.sem_alloc : memref<!tpu.dma_semaphore, #tpu.memory_space<semaphore_mem>>
        %dma_start3A_55 = arith.constant 0 : i32
        %dma_start3A_56 = arith.constant 0 : i32
        %dma_start3A_57 = tpu.memref_slice %arg3[%add3A_41, %dma_start3A_55, %dma_start3A_56] : memref<2528x2x128xi32, #tpu.memory_space<hbm>> -> memref<1x2x128xi32, #tpu.memory_space<hbm>>
        %dma_start3A_58 = tpu.memref_squeeze %dma_start3A_57 : memref<1x2x128xi32, #tpu.memory_space<hbm>> -> memref<2x128xi32, #tpu.memory_space<hbm>>
        %dma_start3A_59 = arith.constant 0 : i32
        %dma_start3A_60 = arith.constant 0 : i32
        %dma_start3A_61 = tpu.memref_slice %arg3[%add3A_41, %dma_start3A_59, %dma_start3A_60] : memref<2528x2x128xi32, #tpu.memory_space<hbm>> -> memref<1x2x128xi32, #tpu.memory_space<hbm>>
        %dma_start3A_62 = tpu.memref_squeeze %dma_start3A_61 : memref<1x2x128xi32, #tpu.memory_space<hbm>> -> memref<2x128xi32, #tpu.memory_space<hbm>>
        tpu.enqueue_dma source(%dma_start3A_62 : memref<2x128xi32, #tpu.memory_space<hbm>>) target(%arg6 : memref<2x128xi32, #tpu.memory_space<vmem>>) target_semaphore(%run_scoped3A_54 : memref<!tpu.dma_semaphore, #tpu.memory_space<semaphore_mem>>)
        %dma_wait3A_63 = arith.constant 0 : i32
        %dma_wait3A_64 = arith.constant 0 : i32
        %dma_wait3A_65 = tpu.memref_slice %arg3[%add3A_41, %dma_wait3A_63, %dma_wait3A_64] : memref<2528x2x128xi32, #tpu.memory_space<hbm>> -> memref<1x2x128xi32, #tpu.memory_space<hbm>>
        %dma_wait3A_66 = tpu.memref_squeeze %dma_wait3A_65 : memref<1x2x128xi32, #tpu.memory_space<hbm>> -> memref<2x128xi32, #tpu.memory_space<hbm>>
        %dma_wait3A_67 = arith.constant 0 : i32
        %dma_wait3A_68 = arith.constant 0 : i32
        %dma_wait3A_69 = tpu.memref_slice %arg3[%add3A_41, %dma_wait3A_67, %dma_wait3A_68] : memref<2528x2x128xi32, #tpu.memory_space<hbm>> -> memref<1x2x128xi32, #tpu.memory_space<hbm>>
        %dma_wait3A_70 = tpu.memref_squeeze %dma_wait3A_69 : memref<1x2x128xi32, #tpu.memory_space<hbm>> -> memref<2x128xi32, #tpu.memory_space<hbm>>
        tpu.wait_dma2 semaphore(%run_scoped3A_54 : memref<!tpu.dma_semaphore, #tpu.memory_space<semaphore_mem>>) src(%dma_wait3A_70 : memref<2x128xi32, #tpu.memory_space<hbm>>) dst(%arg6 : memref<2x128xi32, #tpu.memory_space<vmem>>)
        tpu.yield
      }) : () -> ()
      %dma_start3A = arith.constant 0 : i32
      %dma_start3A_42 = arith.constant 0 : i32
      %dma_start3A_43 = tpu.memref_slice %arg6[%dma_start3A, %dma_start3A_42] : memref<2x128xi32, #tpu.memory_space<vmem>> -> memref<1x128xi32, #tpu.memory_space<vmem>>
      %dma_start3A_44 = tpu.memref_squeeze %dma_start3A_43 : memref<1x128xi32, #tpu.memory_space<vmem>> -> memref<128xi32, #tpu.memory_space<vmem>>
      %dma_start3A_45 = arith.constant 0 : i32
      %dma_start3A_46 = arith.constant 0 : i32
      %dma_start3A_47 = tpu.memref_slice %arg2[%dma_start3A_45, %dma_start3A_46] : memref<10000x128xf32, #tpu.memory_space<hbm>> -> memref<10000x128xf32, #tpu.memory_space<hbm>>
      tpu.enqueue_indirect_dma source(%dma_start3A_47 : memref<10000x128xf32, #tpu.memory_space<hbm>>) target(%arg7 : memref<128x128xf32, #tpu.memory_space<vmem>>) offsets(%dma_start3A_44 : memref<128xi32, #tpu.memory_space<vmem>>) semaphore(%arg9 : memref<!tpu.dma_semaphore, #tpu.memory_space<semaphore_mem>>)
      %dma_wait3A = arith.constant 0 : i32
      %dma_wait3A_48 = arith.constant 0 : i32
      %dma_wait3A_49 = tpu.memref_slice %arg6[%dma_wait3A, %dma_wait3A_48] : memref<2x128xi32, #tpu.memory_space<vmem>> -> memref<1x128xi32, #tpu.memory_space<vmem>>
      %dma_wait3A_50 = tpu.memref_squeeze %dma_wait3A_49 : memref<1x128xi32, #tpu.memory_space<vmem>> -> memref<128xi32, #tpu.memory_space<vmem>>
      %dma_wait3A_51 = arith.constant 0 : i32
      %dma_wait3A_52 = arith.constant 0 : i32
      %dma_wait3A_53 = tpu.memref_slice %arg2[%dma_wait3A_51, %dma_wait3A_52] : memref<10000x128xf32, #tpu.memory_space<hbm>> -> memref<10000x128xf32, #tpu.memory_space<hbm>>
      tpu.wait_indirect_dma semaphore(%arg9 : memref<!tpu.dma_semaphore, #tpu.memory_space<semaphore_mem>>) src(%dma_wait3A_53 : memref<10000x128xf32, #tpu.memory_space<hbm>>) dst(%arg7 : memref<128x128xf32, #tpu.memory_space<vmem>>)
      %run_scoped3A = arith.constant 1 : i32
      "tpu.region"() ({
        %run_scoped3A_54 = tpu.sem_alloc : memref<!tpu.dma_semaphore, #tpu.memory_space<semaphore_mem>>
        %dma_start3A_55 = arith.constant 0 : i32
        %dma_start3A_56 = tpu.memref_slice %arg6[%run_scoped3A, %dma_start3A_55] : memref<2x128xi32, #tpu.memory_space<vmem>> -> memref<1x128xi32, #tpu.memory_space<vmem>>
        %dma_start3A_57 = tpu.memref_squeeze %dma_start3A_56 : memref<1x128xi32, #tpu.memory_space<vmem>> -> memref<128xi32, #tpu.memory_space<vmem>>
        %dma_start3A_58 = arith.constant 0 : i32
        %dma_start3A_59 = arith.constant 0 : i32
        %dma_start3A_60 = tpu.memref_slice %arg8[%dma_start3A_58, %dma_start3A_59] : memref<10112x128xf32, #tpu.memory_space<vmem_shared>> -> memref<10112x128xf32, #tpu.memory_space<vmem_shared>>
        tpu.enqueue_indirect_dma source(%arg7 : memref<128x128xf32, #tpu.memory_space<vmem>>) target(%dma_start3A_60 : memref<10112x128xf32, #tpu.memory_space<vmem_shared>>) offsets(%dma_start3A_57 : memref<128xi32, #tpu.memory_space<vmem>>) semaphore(%run_scoped3A_54 : memref<!tpu.dma_semaphore, #tpu.memory_space<semaphore_mem>>) {add = true}
        %dma_wait3A_61 = arith.constant 0 : i32
        %dma_wait3A_62 = tpu.memref_slice %arg6[%run_scoped3A, %dma_wait3A_61] : memref<2x128xi32, #tpu.memory_space<vmem>> -> memref<1x128xi32, #tpu.memory_space<vmem>>
        %dma_wait3A_63 = tpu.memref_squeeze %dma_wait3A_62 : memref<1x128xi32, #tpu.memory_space<vmem>> -> memref<128xi32, #tpu.memory_space<vmem>>
        %dma_wait3A_64 = arith.constant 0 : i32
        %dma_wait3A_65 = arith.constant 0 : i32
        %dma_wait3A_66 = tpu.memref_slice %arg8[%dma_wait3A_64, %dma_wait3A_65] : memref<10112x128xf32, #tpu.memory_space<vmem_shared>> -> memref<10112x128xf32, #tpu.memory_space<vmem_shared>>
        tpu.wait_indirect_dma semaphore(%run_scoped3A_54 : memref<!tpu.dma_semaphore, #tpu.memory_space<semaphore_mem>>) src(%arg7 : memref<128x128xf32, #tpu.memory_space<vmem>>) dst(%dma_wait3A_66 : memref<10112x128xf32, #tpu.memory_space<vmem_shared>>)
        tpu.yield
      }) : () -> ()
    }
    %barrier3A_35 = arith.constant 0 : index
    tpu.barrier barrier_id(%barrier3A_35)
    %mul3A_36 = arith.constant 632 : i32
    %mul3A_37 = arith.muli %arg1, %mul3A_36 : i32
    %mul3A_38 = arith.constant 632 : i32
    %mul3A_39 = arith.muli %arg1, %mul3A_38 : i32
    "tpu.region"() ({
      %run_scoped3A = tpu.sem_alloc : memref<!tpu.dma_semaphore, #tpu.memory_space<semaphore_mem>>
      %dma_start3A = arith.constant 0 : i32
      %dma_start3A_40 = tpu.memref_slice %arg5[%arg0, %mul3A_39, %dma_start3A] : memref<2x10112x128xf32, #tpu.memory_space<hbm>> -> memref<1x632x128xf32, #tpu.memory_space<hbm>>
      %dma_start3A_41 = tpu.memref_squeeze %dma_start3A_40 : memref<1x632x128xf32, #tpu.memory_space<hbm>> -> memref<632x128xf32, #tpu.memory_space<hbm>>
      %dma_start3A_42 = arith.constant 0 : i32
      %dma_start3A_43 = tpu.memref_slice %arg8[%mul3A_37, %dma_start3A_42] : memref<10112x128xf32, #tpu.memory_space<vmem_shared>> -> memref<632x128xf32, #tpu.memory_space<vmem_shared>>
      tpu.enqueue_dma source(%dma_start3A_43 : memref<632x128xf32, #tpu.memory_space<vmem_shared>>) target(%dma_start3A_41 : memref<632x128xf32, #tpu.memory_space<hbm>>) target_semaphore(%run_scoped3A : memref<!tpu.dma_semaphore, #tpu.memory_space<semaphore_mem>>)
      %dma_wait3A = arith.constant 0 : i32
      %dma_wait3A_44 = tpu.memref_slice %arg5[%arg0, %mul3A_39, %dma_wait3A] : memref<2x10112x128xf32, #tpu.memory_space<hbm>> -> memref<1x632x128xf32, #tpu.memory_space<hbm>>
      %dma_wait3A_45 = tpu.memref_squeeze %dma_wait3A_44 : memref<1x632x128xf32, #tpu.memory_space<hbm>> -> memref<632x128xf32, #tpu.memory_space<hbm>>
      %dma_wait3A_46 = arith.constant 0 : i32
      %dma_wait3A_47 = tpu.memref_slice %arg8[%mul3A_37, %dma_wait3A_46] : memref<10112x128xf32, #tpu.memory_space<vmem_shared>> -> memref<632x128xf32, #tpu.memory_space<vmem_shared>>
      tpu.wait_dma2 semaphore(%run_scoped3A : memref<!tpu.dma_semaphore, #tpu.memory_space<semaphore_mem>>) src(%dma_wait3A_47 : memref<632x128xf32, #tpu.memory_space<vmem_shared>>) dst(%dma_wait3A_45 : memref<632x128xf32, #tpu.memory_space<hbm>>)
      tpu.yield
    }) : () -> ()
    return
  }
}

#map = affine_map<(d0, d1) -> (0, 0)>
#map1 = affine_map<(d0, d1) -> (0, 0, 0)>
module attributes {stable_mosaic.version = 14 : i64} {
  func.func @agg(%arg0: i32, %arg1: i32, %arg2: memref<10000x128xf32, #tpu.memory_space<hbm>>, %arg3: memref<2528x2x128xi32, #tpu.memory_space<hbm>>, %arg4: memref<128x128xf32, #tpu.memory_space<hbm>>, %arg5: memref<2x10112x128xf32, #tpu.memory_space<hbm>>, %arg6: memref<2x128xi32, #tpu.memory_space<vmem>>, %arg7: memref<128x128xf32, #tpu.memory_space<vmem>>, %arg8: memref<10112x128xf32, #tpu.memory_space<vmem_shared>>, %arg9: memref<!tpu.dma_semaphore, #tpu.memory_space<semaphore_mem>>) attributes {dimension_semantics = [#tpu.dimension_semantics<core_parallel>, #tpu.dimension_semantics<subcore_parallel>], iteration_bounds = array<i64: 2, 16>, scalar_prefetch = 0 : i64, scratch_operands = 4 : i64, tpu.core_type = #tpu.core_type<sc_vector_subcore>, window_params = [{transform_indices = #map}, {transform_indices = #map1}, {transform_indices = #map}, {transform_indices = #map1}]} {
    "tpu.region"() ({
      %run_scoped3A = tpu.sem_alloc : memref<!tpu.dma_semaphore, #tpu.memory_space<semaphore_mem>>
      tpu.enqueue_dma source(%arg4 : memref<128x128xf32, #tpu.memory_space<hbm>>) target(%arg7 : memref<128x128xf32, #tpu.memory_space<vmem>>) target_semaphore(%run_scoped3A : memref<!tpu.dma_semaphore, #tpu.memory_space<semaphore_mem>>)
      tpu.wait_dma2 semaphore(%run_scoped3A : memref<!tpu.dma_semaphore, #tpu.memory_space<semaphore_mem>>) src(%arg4 : memref<128x128xf32, #tpu.memory_space<hbm>>) dst(%arg7 : memref<128x128xf32, #tpu.memory_space<vmem>>)
      tpu.yield
    }) : () -> ()
    %mul3A = arith.constant 632 : i32
    %mul3A_0 = arith.muli %arg1, %mul3A : i32
    %add3A = arith.constant 0 : i32
    %add3A_1 = arith.addi %mul3A_0, %add3A : i32
    "tpu.region"() ({
      %run_scoped3A = tpu.sem_alloc : memref<!tpu.dma_semaphore, #tpu.memory_space<semaphore_mem>>
      %dma_start3A = arith.constant 0 : i32
      %dma_start3A_40 = tpu.memref_slice %arg8[%add3A_1, %dma_start3A] : memref<10112x128xf32, #tpu.memory_space<vmem_shared>> -> memref<128x128xf32, #tpu.memory_space<vmem_shared>>
      %dma_start3A_41 = arith.constant 0 : i32
      %dma_start3A_42 = tpu.memref_slice %arg8[%add3A_1, %dma_start3A_41] : memref<10112x128xf32, #tpu.memory_space<vmem_shared>> -> memref<128x128xf32, #tpu.memory_space<vmem_shared>>
      tpu.enqueue_dma source(%arg7 : memref<128x128xf32, #tpu.memory_space<vmem>>) target(%dma_start3A_42 : memref<128x128xf32, #tpu.memory_space<vmem_shared>>) target_semaphore(%run_scoped3A : memref<!tpu.dma_semaphore, #tpu.memory_space<semaphore_mem>>)
      %dma_wait3A = arith.constant 0 : i32
      %dma_wait3A_43 = tpu.memref_slice %arg8[%add3A_1, %dma_wait3A] : memref<10112x128xf32, #tpu.memory_space<vmem_shared>> -> memref<128x128xf32, #tpu.memory_space<vmem_shared>>
      %dma_wait3A_44 = arith.constant 0 : i32
      %dma_wait3A_45 = tpu.memref_slice %arg8[%add3A_1, %dma_wait3A_44] : memref<10112x128xf32, #tpu.memory_space<vmem_shared>> -> memref<128x128xf32, #tpu.memory_space<vmem_shared>>
      tpu.wait_dma2 semaphore(%run_scoped3A : memref<!tpu.dma_semaphore, #tpu.memory_space<semaphore_mem>>) src(%arg7 : memref<128x128xf32, #tpu.memory_space<vmem>>) dst(%dma_wait3A_45 : memref<128x128xf32, #tpu.memory_space<vmem_shared>>)
      tpu.yield
    }) : () -> ()
    %mul3A_2 = arith.constant 632 : i32
    %mul3A_3 = arith.muli %arg1, %mul3A_2 : i32
    %add3A_4 = arith.constant 128 : i32
    %add3A_5 = arith.addi %mul3A_3, %add3A_4 : i32
    "tpu.region"() ({
      %run_scoped3A = tpu.sem_alloc : memref<!tpu.dma_semaphore, #tpu.memory_space<semaphore_mem>>
      %dma_start3A = arith.constant 0 : i32
      %dma_start3A_40 = tpu.memref_slice %arg8[%add3A_5, %dma_start3A] : memref<10112x128xf32, #tpu.memory_space<vmem_shared>> -> memref<128x128xf32, #tpu.memory_space<vmem_shared>>
      %dma_start3A_41 = arith.constant 0 : i32
      %dma_start3A_42 = tpu.memref_slice %arg8[%add3A_5, %dma_start3A_41] : memref<10112x128xf32, #tpu.memory_space<vmem_shared>> -> memref<128x128xf32, #tpu.memory_space<vmem_shared>>
      tpu.enqueue_dma source(%arg7 : memref<128x128xf32, #tpu.memory_space<vmem>>) target(%dma_start3A_42 : memref<128x128xf32, #tpu.memory_space<vmem_shared>>) target_semaphore(%run_scoped3A : memref<!tpu.dma_semaphore, #tpu.memory_space<semaphore_mem>>)
      %dma_wait3A = arith.constant 0 : i32
      %dma_wait3A_43 = tpu.memref_slice %arg8[%add3A_5, %dma_wait3A] : memref<10112x128xf32, #tpu.memory_space<vmem_shared>> -> memref<128x128xf32, #tpu.memory_space<vmem_shared>>
      %dma_wait3A_44 = arith.constant 0 : i32
      %dma_wait3A_45 = tpu.memref_slice %arg8[%add3A_5, %dma_wait3A_44] : memref<10112x128xf32, #tpu.memory_space<vmem_shared>> -> memref<128x128xf32, #tpu.memory_space<vmem_shared>>
      tpu.wait_dma2 semaphore(%run_scoped3A : memref<!tpu.dma_semaphore, #tpu.memory_space<semaphore_mem>>) src(%arg7 : memref<128x128xf32, #tpu.memory_space<vmem>>) dst(%dma_wait3A_45 : memref<128x128xf32, #tpu.memory_space<vmem_shared>>)
      tpu.yield
    }) : () -> ()
    %mul3A_6 = arith.constant 632 : i32
    %mul3A_7 = arith.muli %arg1, %mul3A_6 : i32
    %add3A_8 = arith.constant 256 : i32
    %add3A_9 = arith.addi %mul3A_7, %add3A_8 : i32
    "tpu.region"() ({
      %run_scoped3A = tpu.sem_alloc : memref<!tpu.dma_semaphore, #tpu.memory_space<semaphore_mem>>
      %dma_start3A = arith.constant 0 : i32
      %dma_start3A_40 = tpu.memref_slice %arg8[%add3A_9, %dma_start3A] : memref<10112x128xf32, #tpu.memory_space<vmem_shared>> -> memref<128x128xf32, #tpu.memory_space<vmem_shared>>
      %dma_start3A_41 = arith.constant 0 : i32
      %dma_start3A_42 = tpu.memref_slice %arg8[%add3A_9, %dma_start3A_41] : memref<10112x128xf32, #tpu.memory_space<vmem_shared>> -> memref<128x128xf32, #tpu.memory_space<vmem_shared>>
      tpu.enqueue_dma source(%arg7 : memref<128x128xf32, #tpu.memory_space<vmem>>) target(%dma_start3A_42 : memref<128x128xf32, #tpu.memory_space<vmem_shared>>) target_semaphore(%run_scoped3A : memref<!tpu.dma_semaphore, #tpu.memory_space<semaphore_mem>>)
      %dma_wait3A = arith.constant 0 : i32
      %dma_wait3A_43 = tpu.memref_slice %arg8[%add3A_9, %dma_wait3A] : memref<10112x128xf32, #tpu.memory_space<vmem_shared>> -> memref<128x128xf32, #tpu.memory_space<vmem_shared>>
      %dma_wait3A_44 = arith.constant 0 : i32
      %dma_wait3A_45 = tpu.memref_slice %arg8[%add3A_9, %dma_wait3A_44] : memref<10112x128xf32, #tpu.memory_space<vmem_shared>> -> memref<128x128xf32, #tpu.memory_space<vmem_shared>>
      tpu.wait_dma2 semaphore(%run_scoped3A : memref<!tpu.dma_semaphore, #tpu.memory_space<semaphore_mem>>) src(%arg7 : memref<128x128xf32, #tpu.memory_space<vmem>>) dst(%dma_wait3A_45 : memref<128x128xf32, #tpu.memory_space<vmem_shared>>)
      tpu.yield
    }) : () -> ()
    %mul3A_10 = arith.constant 632 : i32
    %mul3A_11 = arith.muli %arg1, %mul3A_10 : i32
    %add3A_12 = arith.constant 384 : i32
    %add3A_13 = arith.addi %mul3A_11, %add3A_12 : i32
    "tpu.region"() ({
      %run_scoped3A = tpu.sem_alloc : memref<!tpu.dma_semaphore, #tpu.memory_space<semaphore_mem>>
      %dma_start3A = arith.constant 0 : i32
      %dma_start3A_40 = tpu.memref_slice %arg8[%add3A_13, %dma_start3A] : memref<10112x128xf32, #tpu.memory_space<vmem_shared>> -> memref<128x128xf32, #tpu.memory_space<vmem_shared>>
      %dma_start3A_41 = arith.constant 0 : i32
      %dma_start3A_42 = tpu.memref_slice %arg8[%add3A_13, %dma_start3A_41] : memref<10112x128xf32, #tpu.memory_space<vmem_shared>> -> memref<128x128xf32, #tpu.memory_space<vmem_shared>>
      tpu.enqueue_dma source(%arg7 : memref<128x128xf32, #tpu.memory_space<vmem>>) target(%dma_start3A_42 : memref<128x128xf32, #tpu.memory_space<vmem_shared>>) target_semaphore(%run_scoped3A : memref<!tpu.dma_semaphore, #tpu.memory_space<semaphore_mem>>)
      %dma_wait3A = arith.constant 0 : i32
      %dma_wait3A_43 = tpu.memref_slice %arg8[%add3A_13, %dma_wait3A] : memref<10112x128xf32, #tpu.memory_space<vmem_shared>> -> memref<128x128xf32, #tpu.memory_space<vmem_shared>>
      %dma_wait3A_44 = arith.constant 0 : i32
      %dma_wait3A_45 = tpu.memref_slice %arg8[%add3A_13, %dma_wait3A_44] : memref<10112x128xf32, #tpu.memory_space<vmem_shared>> -> memref<128x128xf32, #tpu.memory_space<vmem_shared>>
      tpu.wait_dma2 semaphore(%run_scoped3A : memref<!tpu.dma_semaphore, #tpu.memory_space<semaphore_mem>>) src(%arg7 : memref<128x128xf32, #tpu.memory_space<vmem>>) dst(%dma_wait3A_45 : memref<128x128xf32, #tpu.memory_space<vmem_shared>>)
      tpu.yield
    }) : () -> ()
    %mul3A_14 = arith.constant 632 : i32
    %mul3A_15 = arith.muli %arg1, %mul3A_14 : i32
    %add3A_16 = arith.constant 512 : i32
    %add3A_17 = arith.addi %mul3A_15, %add3A_16 : i32
    "tpu.region"() ({
      %run_scoped3A = tpu.sem_alloc : memref<!tpu.dma_semaphore, #tpu.memory_space<semaphore_mem>>
      %dma_start3A = arith.constant 0 : i32
      %dma_start3A_40 = arith.constant 0 : i32
      %dma_start3A_41 = tpu.memref_slice %arg7[%dma_start3A, %dma_start3A_40] : memref<128x128xf32, #tpu.memory_space<vmem>> -> memref<120x128xf32, #tpu.memory_space<vmem>>
      %dma_start3A_42 = arith.constant 0 : i32
      %dma_start3A_43 = tpu.memref_slice %arg8[%add3A_17, %dma_start3A_42] : memref<10112x128xf32, #tpu.memory_space<vmem_shared>> -> memref<120x128xf32, #tpu.memory_space<vmem_shared>>
      %dma_start3A_44 = arith.constant 0 : i32
      %dma_start3A_45 = tpu.memref_slice %arg8[%add3A_17, %dma_start3A_44] : memref<10112x128xf32, #tpu.memory_space<vmem_shared>> -> memref<120x128xf32, #tpu.memory_space<vmem_shared>>
      %dma_start3A_46 = arith.constant 0 : i32
      %dma_start3A_47 = arith.constant 0 : i32
      %dma_start3A_48 = tpu.memref_slice %arg7[%dma_start3A_46, %dma_start3A_47] : memref<128x128xf32, #tpu.memory_space<vmem>> -> memref<120x128xf32, #tpu.memory_space<vmem>>
      tpu.enqueue_dma source(%dma_start3A_48 : memref<120x128xf32, #tpu.memory_space<vmem>>) target(%dma_start3A_45 : memref<120x128xf32, #tpu.memory_space<vmem_shared>>) target_semaphore(%run_scoped3A : memref<!tpu.dma_semaphore, #tpu.memory_space<semaphore_mem>>)
      %dma_wait3A = arith.constant 0 : i32
      %dma_wait3A_49 = arith.constant 0 : i32
      %dma_wait3A_50 = tpu.memref_slice %arg7[%dma_wait3A, %dma_wait3A_49] : memref<128x128xf32, #tpu.memory_space<vmem>> -> memref<120x128xf32, #tpu.memory_space<vmem>>
      %dma_wait3A_51 = arith.constant 0 : i32
      %dma_wait3A_52 = tpu.memref_slice %arg8[%add3A_17, %dma_wait3A_51] : memref<10112x128xf32, #tpu.memory_space<vmem_shared>> -> memref<120x128xf32, #tpu.memory_space<vmem_shared>>
      %dma_wait3A_53 = arith.constant 0 : i32
      %dma_wait3A_54 = tpu.memref_slice %arg8[%add3A_17, %dma_wait3A_53] : memref<10112x128xf32, #tpu.memory_space<vmem_shared>> -> memref<120x128xf32, #tpu.memory_space<vmem_shared>>
      %dma_wait3A_55 = arith.constant 0 : i32
      %dma_wait3A_56 = arith.constant 0 : i32
      %dma_wait3A_57 = tpu.memref_slice %arg7[%dma_wait3A_55, %dma_wait3A_56] : memref<128x128xf32, #tpu.memory_space<vmem>> -> memref<120x128xf32, #tpu.memory_space<vmem>>
      tpu.wait_dma2 semaphore(%run_scoped3A : memref<!tpu.dma_semaphore, #tpu.memory_space<semaphore_mem>>) src(%dma_wait3A_57 : memref<120x128xf32, #tpu.memory_space<vmem>>) dst(%dma_wait3A_54 : memref<120x128xf32, #tpu.memory_space<vmem_shared>>)
      tpu.yield
    }) : () -> ()
    %barrier3A = arith.constant 0 : index
    tpu.barrier barrier_id(%barrier3A)
    %eq3A = arith.constant 0 : i32
    %eq3A_18 = arith.cmpi eq, %arg0, %eq3A : i32
    %jit3A = arith.constant 115 : i32
    %jit3A_19 = arith.constant 43 : i32
    %select_n3A = arith.select %eq3A_18, %jit3A, %jit3A_19 : i32
    %mul3A_20 = arith.constant 16 : i32
    %mul3A_21 = arith.muli %arg0, %mul3A_20 : i32
    %mul3A_22 = arith.constant 115 : i32
    %mul3A_23 = arith.muli %mul3A_21, %mul3A_22 : i32
    %mul3A_24 = arith.muli %arg1, %select_n3A : i32
    %add3A_25 = arith.addi %mul3A_23, %mul3A_24 : i32
    %while3A = arith.constant 0 : i32
    %while3A_26 = arith.constant 0 : i32
    %while3A_27 = arith.subi %select_n3A, %while3A_26 : i32
    %while3A_28 = arith.addi %while3A_26, %while3A_27 : i32
    %while3A_29 = arith.constant 1 : i32
    %while3A_30 = arith.divsi %while3A_27, %while3A_29 : i32
    %while3A_31 = arith.muli %while3A_30, %while3A_29 : i32
    %while3A_32 = arith.addi %while3A_26, %while3A_31 : i32
    %while3A_33 = arith.constant 1 : i32
    scf.for %while3A_40 = %while3A_26 to %while3A_32 step %while3A_33  : i32 {
      %add3A_41 = arith.addi %add3A_25, %while3A_40 : i32
      "tpu.region"() ({
        %run_scoped3A_54 = tpu.sem_alloc : memref<!tpu.dma_semaphore, #tpu.memory_space<semaphore_mem>>
        %dma_start3A_55 = arith.constant 0 : i32
        %dma_start3A_56 = arith.constant 0 : i32
        %dma_start3A_57 = tpu.memref_slice %arg3[%add3A_41, %dma_start3A_55, %dma_start3A_56] : memref<2528x2x128xi32, #tpu.memory_space<hbm>> -> memref<1x2x128xi32, #tpu.memory_space<hbm>>
        %dma_start3A_58 = tpu.memref_squeeze %dma_start3A_57 : memref<1x2x128xi32, #tpu.memory_space<hbm>> -> memref<2x128xi32, #tpu.memory_space<hbm>>
        %dma_start3A_59 = arith.constant 0 : i32
        %dma_start3A_60 = arith.constant 0 : i32
        %dma_start3A_61 = tpu.memref_slice %arg3[%add3A_41, %dma_start3A_59, %dma_start3A_60] : memref<2528x2x128xi32, #tpu.memory_space<hbm>> -> memref<1x2x128xi32, #tpu.memory_space<hbm>>
        %dma_start3A_62 = tpu.memref_squeeze %dma_start3A_61 : memref<1x2x128xi32, #tpu.memory_space<hbm>> -> memref<2x128xi32, #tpu.memory_space<hbm>>
        tpu.enqueue_dma source(%dma_start3A_62 : memref<2x128xi32, #tpu.memory_space<hbm>>) target(%arg6 : memref<2x128xi32, #tpu.memory_space<vmem>>) target_semaphore(%run_scoped3A_54 : memref<!tpu.dma_semaphore, #tpu.memory_space<semaphore_mem>>)
        %dma_wait3A_63 = arith.constant 0 : i32
        %dma_wait3A_64 = arith.constant 0 : i32
        %dma_wait3A_65 = tpu.memref_slice %arg3[%add3A_41, %dma_wait3A_63, %dma_wait3A_64] : memref<2528x2x128xi32, #tpu.memory_space<hbm>> -> memref<1x2x128xi32, #tpu.memory_space<hbm>>
        %dma_wait3A_66 = tpu.memref_squeeze %dma_wait3A_65 : memref<1x2x128xi32, #tpu.memory_space<hbm>> -> memref<2x128xi32, #tpu.memory_space<hbm>>
        %dma_wait3A_67 = arith.constant 0 : i32
        %dma_wait3A_68 = arith.constant 0 : i32
        %dma_wait3A_69 = tpu.memref_slice %arg3[%add3A_41, %dma_wait3A_67, %dma_wait3A_68] : memref<2528x2x128xi32, #tpu.memory_space<hbm>> -> memref<1x2x128xi32, #tpu.memory_space<hbm>>
        %dma_wait3A_70 = tpu.memref_squeeze %dma_wait3A_69 : memref<1x2x128xi32, #tpu.memory_space<hbm>> -> memref<2x128xi32, #tpu.memory_space<hbm>>
        tpu.wait_dma2 semaphore(%run_scoped3A_54 : memref<!tpu.dma_semaphore, #tpu.memory_space<semaphore_mem>>) src(%dma_wait3A_70 : memref<2x128xi32, #tpu.memory_space<hbm>>) dst(%arg6 : memref<2x128xi32, #tpu.memory_space<vmem>>)
        tpu.yield
      }) : () -> ()
      %dma_start3A = arith.constant 0 : i32
      %dma_start3A_42 = arith.constant 0 : i32
      %dma_start3A_43 = tpu.memref_slice %arg6[%dma_start3A, %dma_start3A_42] : memref<2x128xi32, #tpu.memory_space<vmem>> -> memref<1x128xi32, #tpu.memory_space<vmem>>
      %dma_start3A_44 = tpu.memref_squeeze %dma_start3A_43 : memref<1x128xi32, #tpu.memory_space<vmem>> -> memref<128xi32, #tpu.memory_space<vmem>>
      %dma_start3A_45 = arith.constant 0 : i32
      %dma_start3A_46 = arith.constant 0 : i32
      %dma_start3A_47 = tpu.memref_slice %arg2[%dma_start3A_45, %dma_start3A_46] : memref<10000x128xf32, #tpu.memory_space<hbm>> -> memref<10000x128xf32, #tpu.memory_space<hbm>>
      tpu.enqueue_indirect_dma source(%dma_start3A_47 : memref<10000x128xf32, #tpu.memory_space<hbm>>) target(%arg7 : memref<128x128xf32, #tpu.memory_space<vmem>>) offsets(%dma_start3A_44 : memref<128xi32, #tpu.memory_space<vmem>>) semaphore(%arg9 : memref<!tpu.dma_semaphore, #tpu.memory_space<semaphore_mem>>)
      %dma_wait3A = arith.constant 0 : i32
      %dma_wait3A_48 = arith.constant 0 : i32
      %dma_wait3A_49 = tpu.memref_slice %arg6[%dma_wait3A, %dma_wait3A_48] : memref<2x128xi32, #tpu.memory_space<vmem>> -> memref<1x128xi32, #tpu.memory_space<vmem>>
      %dma_wait3A_50 = tpu.memref_squeeze %dma_wait3A_49 : memref<1x128xi32, #tpu.memory_space<vmem>> -> memref<128xi32, #tpu.memory_space<vmem>>
      %dma_wait3A_51 = arith.constant 0 : i32
      %dma_wait3A_52 = arith.constant 0 : i32
      %dma_wait3A_53 = tpu.memref_slice %arg2[%dma_wait3A_51, %dma_wait3A_52] : memref<10000x128xf32, #tpu.memory_space<hbm>> -> memref<10000x128xf32, #tpu.memory_space<hbm>>
      tpu.wait_indirect_dma semaphore(%arg9 : memref<!tpu.dma_semaphore, #tpu.memory_space<semaphore_mem>>) src(%dma_wait3A_53 : memref<10000x128xf32, #tpu.memory_space<hbm>>) dst(%arg7 : memref<128x128xf32, #tpu.memory_space<vmem>>)
      %run_scoped3A = arith.constant 1 : i32
      "tpu.region"() ({
        %run_scoped3A_54 = tpu.sem_alloc : memref<!tpu.dma_semaphore, #tpu.memory_space<semaphore_mem>>
        %dma_start3A_55 = arith.constant 0 : i32
        %dma_start3A_56 = tpu.memref_slice %arg6[%run_scoped3A, %dma_start3A_55] : memref<2x128xi32, #tpu.memory_space<vmem>> -> memref<1x128xi32, #tpu.memory_space<vmem>>
        %dma_start3A_57 = tpu.memref_squeeze %dma_start3A_56 : memref<1x128xi32, #tpu.memory_space<vmem>> -> memref<128xi32, #tpu.memory_space<vmem>>
        %dma_start3A_58 = arith.constant 0 : i32
        %dma_start3A_59 = arith.constant 0 : i32
        %dma_start3A_60 = tpu.memref_slice %arg8[%dma_start3A_58, %dma_start3A_59] : memref<10112x128xf32, #tpu.memory_space<vmem_shared>> -> memref<10112x128xf32, #tpu.memory_space<vmem_shared>>
        tpu.enqueue_indirect_dma source(%arg7 : memref<128x128xf32, #tpu.memory_space<vmem>>) target(%dma_start3A_60 : memref<10112x128xf32, #tpu.memory_space<vmem_shared>>) offsets(%dma_start3A_57 : memref<128xi32, #tpu.memory_space<vmem>>) semaphore(%run_scoped3A_54 : memref<!tpu.dma_semaphore, #tpu.memory_space<semaphore_mem>>) {add = true}
        %dma_wait3A_61 = arith.constant 0 : i32
        %dma_wait3A_62 = tpu.memref_slice %arg6[%run_scoped3A, %dma_wait3A_61] : memref<2x128xi32, #tpu.memory_space<vmem>> -> memref<1x128xi32, #tpu.memory_space<vmem>>
        %dma_wait3A_63 = tpu.memref_squeeze %dma_wait3A_62 : memref<1x128xi32, #tpu.memory_space<vmem>> -> memref<128xi32, #tpu.memory_space<vmem>>
        %dma_wait3A_64 = arith.constant 0 : i32
        %dma_wait3A_65 = arith.constant 0 : i32
        %dma_wait3A_66 = tpu.memref_slice %arg8[%dma_wait3A_64, %dma_wait3A_65] : memref<10112x128xf32, #tpu.memory_space<vmem_shared>> -> memref<10112x128xf32, #tpu.memory_space<vmem_shared>>
        tpu.wait_indirect_dma semaphore(%run_scoped3A_54 : memref<!tpu.dma_semaphore, #tpu.memory_space<semaphore_mem>>) src(%arg7 : memref<128x128xf32, #tpu.memory_space<vmem>>) dst(%dma_wait3A_66 : memref<10112x128xf32, #tpu.memory_space<vmem_shared>>)
        tpu.yield
      }) : () -> ()
    }
    %while3A_34 = arith.constant 1 : i32
    scf.for %while3A_40 = %while3A_32 to %while3A_28 step %while3A_34  : i32 {
      %add3A_41 = arith.addi %add3A_25, %while3A_40 : i32
      "tpu.region"() ({
        %run_scoped3A_54 = tpu.sem_alloc : memref<!tpu.dma_semaphore, #tpu.memory_space<semaphore_mem>>
        %dma_start3A_55 = arith.constant 0 : i32
        %dma_start3A_56 = arith.constant 0 : i32
        %dma_start3A_57 = tpu.memref_slice %arg3[%add3A_41, %dma_start3A_55, %dma_start3A_56] : memref<2528x2x128xi32, #tpu.memory_space<hbm>> -> memref<1x2x128xi32, #tpu.memory_space<hbm>>
        %dma_start3A_58 = tpu.memref_squeeze %dma_start3A_57 : memref<1x2x128xi32, #tpu.memory_space<hbm>> -> memref<2x128xi32, #tpu.memory_space<hbm>>
        %dma_start3A_59 = arith.constant 0 : i32
        %dma_start3A_60 = arith.constant 0 : i32
        %dma_start3A_61 = tpu.memref_slice %arg3[%add3A_41, %dma_start3A_59, %dma_start3A_60] : memref<2528x2x128xi32, #tpu.memory_space<hbm>> -> memref<1x2x128xi32, #tpu.memory_space<hbm>>
        %dma_start3A_62 = tpu.memref_squeeze %dma_start3A_61 : memref<1x2x128xi32, #tpu.memory_space<hbm>> -> memref<2x128xi32, #tpu.memory_space<hbm>>
        tpu.enqueue_dma source(%dma_start3A_62 : memref<2x128xi32, #tpu.memory_space<hbm>>) target(%arg6 : memref<2x128xi32, #tpu.memory_space<vmem>>) target_semaphore(%run_scoped3A_54 : memref<!tpu.dma_semaphore, #tpu.memory_space<semaphore_mem>>)
        %dma_wait3A_63 = arith.constant 0 : i32
        %dma_wait3A_64 = arith.constant 0 : i32
        %dma_wait3A_65 = tpu.memref_slice %arg3[%add3A_41, %dma_wait3A_63, %dma_wait3A_64] : memref<2528x2x128xi32, #tpu.memory_space<hbm>> -> memref<1x2x128xi32, #tpu.memory_space<hbm>>
        %dma_wait3A_66 = tpu.memref_squeeze %dma_wait3A_65 : memref<1x2x128xi32, #tpu.memory_space<hbm>> -> memref<2x128xi32, #tpu.memory_space<hbm>>
        %dma_wait3A_67 = arith.constant 0 : i32
        %dma_wait3A_68 = arith.constant 0 : i32
        %dma_wait3A_69 = tpu.memref_slice %arg3[%add3A_41, %dma_wait3A_67, %dma_wait3A_68] : memref<2528x2x128xi32, #tpu.memory_space<hbm>> -> memref<1x2x128xi32, #tpu.memory_space<hbm>>
        %dma_wait3A_70 = tpu.memref_squeeze %dma_wait3A_69 : memref<1x2x128xi32, #tpu.memory_space<hbm>> -> memref<2x128xi32, #tpu.memory_space<hbm>>
        tpu.wait_dma2 semaphore(%run_scoped3A_54 : memref<!tpu.dma_semaphore, #tpu.memory_space<semaphore_mem>>) src(%dma_wait3A_70 : memref<2x128xi32, #tpu.memory_space<hbm>>) dst(%arg6 : memref<2x128xi32, #tpu.memory_space<vmem>>)
        tpu.yield
      }) : () -> ()
      %dma_start3A = arith.constant 0 : i32
      %dma_start3A_42 = arith.constant 0 : i32
      %dma_start3A_43 = tpu.memref_slice %arg6[%dma_start3A, %dma_start3A_42] : memref<2x128xi32, #tpu.memory_space<vmem>> -> memref<1x128xi32, #tpu.memory_space<vmem>>
      %dma_start3A_44 = tpu.memref_squeeze %dma_start3A_43 : memref<1x128xi32, #tpu.memory_space<vmem>> -> memref<128xi32, #tpu.memory_space<vmem>>
      %dma_start3A_45 = arith.constant 0 : i32
      %dma_start3A_46 = arith.constant 0 : i32
      %dma_start3A_47 = tpu.memref_slice %arg2[%dma_start3A_45, %dma_start3A_46] : memref<10000x128xf32, #tpu.memory_space<hbm>> -> memref<10000x128xf32, #tpu.memory_space<hbm>>
      tpu.enqueue_indirect_dma source(%dma_start3A_47 : memref<10000x128xf32, #tpu.memory_space<hbm>>) target(%arg7 : memref<128x128xf32, #tpu.memory_space<vmem>>) offsets(%dma_start3A_44 : memref<128xi32, #tpu.memory_space<vmem>>) semaphore(%arg9 : memref<!tpu.dma_semaphore, #tpu.memory_space<semaphore_mem>>)
      %dma_wait3A = arith.constant 0 : i32
      %dma_wait3A_48 = arith.constant 0 : i32
      %dma_wait3A_49 = tpu.memref_slice %arg6[%dma_wait3A, %dma_wait3A_48] : memref<2x128xi32, #tpu.memory_space<vmem>> -> memref<1x128xi32, #tpu.memory_space<vmem>>
      %dma_wait3A_50 = tpu.memref_squeeze %dma_wait3A_49 : memref<1x128xi32, #tpu.memory_space<vmem>> -> memref<128xi32, #tpu.memory_space<vmem>>
      %dma_wait3A_51 = arith.constant 0 : i32
      %dma_wait3A_52 = arith.constant 0 : i32
      %dma_wait3A_53 = tpu.memref_slice %arg2[%dma_wait3A_51, %dma_wait3A_52] : memref<10000x128xf32, #tpu.memory_space<hbm>> -> memref<10000x128xf32, #tpu.memory_space<hbm>>
      tpu.wait_indirect_dma semaphore(%arg9 : memref<!tpu.dma_semaphore, #tpu.memory_space<semaphore_mem>>) src(%dma_wait3A_53 : memref<10000x128xf32, #tpu.memory_space<hbm>>) dst(%arg7 : memref<128x128xf32, #tpu.memory_space<vmem>>)
      %run_scoped3A = arith.constant 1 : i32
      "tpu.region"() ({
        %run_scoped3A_54 = tpu.sem_alloc : memref<!tpu.dma_semaphore, #tpu.memory_space<semaphore_mem>>
        %dma_start3A_55 = arith.constant 0 : i32
        %dma_start3A_56 = tpu.memref_slice %arg6[%run_scoped3A, %dma_start3A_55] : memref<2x128xi32, #tpu.memory_space<vmem>> -> memref<1x128xi32, #tpu.memory_space<vmem>>
        %dma_start3A_57 = tpu.memref_squeeze %dma_start3A_56 : memref<1x128xi32, #tpu.memory_space<vmem>> -> memref<128xi32, #tpu.memory_space<vmem>>
        %dma_start3A_58 = arith.constant 0 : i32
        %dma_start3A_59 = arith.constant 0 : i32
        %dma_start3A_60 = tpu.memref_slice %arg8[%dma_start3A_58, %dma_start3A_59] : memref<10112x128xf32, #tpu.memory_space<vmem_shared>> -> memref<10112x128xf32, #tpu.memory_space<vmem_shared>>
        tpu.enqueue_indirect_dma source(%arg7 : memref<128x128xf32, #tpu.memory_space<vmem>>) target(%dma_start3A_60 : memref<10112x128xf32, #tpu.memory_space<vmem_shared>>) offsets(%dma_start3A_57 : memref<128xi32, #tpu.memory_space<vmem>>) semaphore(%run_scoped3A_54 : memref<!tpu.dma_semaphore, #tpu.memory_space<semaphore_mem>>) {add = true}
        %dma_wait3A_61 = arith.constant 0 : i32
        %dma_wait3A_62 = tpu.memref_slice %arg6[%run_scoped3A, %dma_wait3A_61] : memref<2x128xi32, #tpu.memory_space<vmem>> -> memref<1x128xi32, #tpu.memory_space<vmem>>
        %dma_wait3A_63 = tpu.memref_squeeze %dma_wait3A_62 : memref<1x128xi32, #tpu.memory_space<vmem>> -> memref<128xi32, #tpu.memory_space<vmem>>
        %dma_wait3A_64 = arith.constant 0 : i32
        %dma_wait3A_65 = arith.constant 0 : i32
        %dma_wait3A_66 = tpu.memref_slice %arg8[%dma_wait3A_64, %dma_wait3A_65] : memref<10112x128xf32, #tpu.memory_space<vmem_shared>> -> memref<10112x128xf32, #tpu.memory_space<vmem_shared>>
        tpu.wait_indirect_dma semaphore(%run_scoped3A_54 : memref<!tpu.dma_semaphore, #tpu.memory_space<semaphore_mem>>) src(%arg7 : memref<128x128xf32, #tpu.memory_space<vmem>>) dst(%dma_wait3A_66 : memref<10112x128xf32, #tpu.memory_space<vmem_shared>>)
        tpu.yield
      }) : () -> ()
    }
    %barrier3A_35 = arith.constant 0 : index
    tpu.barrier barrier_id(%barrier3A_35)
    %mul3A_36 = arith.constant 632 : i32
    %mul3A_37 = arith.muli %arg1, %mul3A_36 : i32
    %mul3A_38 = arith.constant 632 : i32
    %mul3A_39 = arith.muli %arg1, %mul3A_38 : i32
    "tpu.region"() ({
      %run_scoped3A = tpu.sem_alloc : memref<!tpu.dma_semaphore, #tpu.memory_space<semaphore_mem>>
      %dma_start3A = arith.constant 0 : i32
      %dma_start3A_40 = tpu.memref_slice %arg5[%arg0, %mul3A_39, %dma_start3A] : memref<2x10112x128xf32, #tpu.memory_space<hbm>> -> memref<1x632x128xf32, #tpu.memory_space<hbm>>
      %dma_start3A_41 = tpu.memref_squeeze %dma_start3A_40 : memref<1x632x128xf32, #tpu.memory_space<hbm>> -> memref<632x128xf32, #tpu.memory_space<hbm>>
      %dma_start3A_42 = arith.constant 0 : i32
      %dma_start3A_43 = tpu.memref_slice %arg8[%mul3A_37, %dma_start3A_42] : memref<10112x128xf32, #tpu.memory_space<vmem_shared>> -> memref<632x128xf32, #tpu.memory_space<vmem_shared>>
      tpu.enqueue_dma source(%dma_start3A_43 : memref<632x128xf32, #tpu.memory_space<vmem_shared>>) target(%dma_start3A_41 : memref<632x128xf32, #tpu.memory_space<hbm>>) target_semaphore(%run_scoped3A : memref<!tpu.dma_semaphore, #tpu.memory_space<semaphore_mem>>)
      %dma_wait3A = arith.constant 0 : i32
      %dma_wait3A_44 = tpu.memref_slice %arg5[%arg0, %mul3A_39, %dma_wait3A] : memref<2x10112x128xf32, #tpu.memory_space<hbm>> -> memref<1x632x128xf32, #tpu.memory_space<hbm>>
      %dma_wait3A_45 = tpu.memref_squeeze %dma_wait3A_44 : memref<1x632x128xf32, #tpu.memory_space<hbm>> -> memref<632x128xf32, #tpu.memory_space<hbm>>
      %dma_wait3A_46 = arith.constant 0 : i32
      %dma_wait3A_47 = tpu.memref_slice %arg8[%mul3A_37, %dma_wait3A_46] : memref<10112x128xf32, #tpu.memory_space<vmem_shared>> -> memref<632x128xf32, #tpu.memory_space<vmem_shared>>
      tpu.wait_dma2 semaphore(%run_scoped3A : memref<!tpu.dma_semaphore, #tpu.memory_space<semaphore_mem>>) src(%dma_wait3A_47 : memref<632x128xf32, #tpu.memory_space<vmem_shared>>) dst(%dma_wait3A_45 : memref<632x128xf32, #tpu.memory_space<hbm>>)
      tpu.yield
    }) : () -> ()
    return
  }
}

module attributes {stable_mosaic.version = 14 : i64} {
  func.func @_enc_body(%arg0: i32, %arg1: memref<1000x128xf32, #tpu.memory_space<vmem>>, %arg2: memref<128x128xf32, #tpu.memory_space<vmem>>, %arg3: memref<1x128xf32, #tpu.memory_space<vmem>>, %arg4: memref<1x128xf32, #tpu.memory_space<vmem>>, %arg5: memref<1x128xf32, #tpu.memory_space<vmem>>, %arg6: memref<1000x128xf32, #tpu.memory_space<vmem>>, %arg7: memref<1000x128xf32, #tpu.memory_space<vmem>>) attributes {dimension_semantics = [#tpu.dimension_semantics<arbitrary>], iteration_bounds = array<i64: 10>, scalar_prefetch = 0 : i64, scratch_operands = 0 : i64, tpu.core_type = #tpu.core_type<tc>, window_params = [{transform_indices = @transform_0, window_bounds = array<i64: 1000, 128>}, {pipeline_mode = #tpu.pipeline_mode<synchronous>, transform_indices = @transform_1, window_bounds = array<i64: 128, 128>}, {pipeline_mode = #tpu.pipeline_mode<synchronous>, transform_indices = @transform_2, window_bounds = array<i64: 1, 128>}, {pipeline_mode = #tpu.pipeline_mode<synchronous>, transform_indices = @transform_3, window_bounds = array<i64: 1, 128>}, {pipeline_mode = #tpu.pipeline_mode<synchronous>, transform_indices = @transform_4, window_bounds = array<i64: 1, 128>}, {transform_indices = @transform_5, window_bounds = array<i64: 1000, 128>}, {transform_indices = @transform_6, window_bounds = array<i64: 1000, 128>}]} {
    %get3A = arith.constant 0 : index
    %get3A_0 = arith.constant 0 : index
    %get3A_1 = vector.load %arg1[%get3A, %get3A_0] : memref<1000x128xf32, #tpu.memory_space<vmem>>, vector<1000x128xf32>
    %get3A_2 = arith.constant 0 : index
    %get3A_3 = arith.constant 0 : index
    %get3A_4 = vector.load %arg2[%get3A_2, %get3A_3] : memref<128x128xf32, #tpu.memory_space<vmem>>, vector<128x128xf32>
    %dot_general3A = arith.constant dense<0.000000e+00> : vector<1000x128xf32>
    %dot_general3A_5 = tpu.matmul %get3A_1, %get3A_4, %dot_general3A {dimension_numbers = #tpu.dot_dimension_numbers<[1], [0], [0], [1], [0, 0, 1, 1], [], []>, transpose_lhs_hint = false} : vector<1000x128xf32>, vector<128x128xf32>, vector<1000x128xf32> -> vector<1000x128xf32>
    %get3A_6 = arith.constant 0 : index
    %get3A_7 = arith.constant 0 : index
    %get3A_8 = vector.load %arg3[%get3A_6, %get3A_7] : memref<1x128xf32, #tpu.memory_space<vmem>>, vector<1x128xf32>
    %add3A = vector.broadcast %get3A_8 : vector<1x128xf32> to vector<1000x128xf32>
    %add3A_9 = arith.addf %dot_general3A_5, %add3A : vector<1000x128xf32>
    %swap3A = arith.constant 0 : index
    %swap3A_10 = arith.constant 0 : index
    %swap3A_11 = vector.load %arg6[%swap3A, %swap3A_10] : memref<1000x128xf32, #tpu.memory_space<vmem>>, vector<1000x128xf32>
    tpu.vector_store %arg6[%swap3A, %swap3A_10], %add3A_9 {strides = array<i32>} : memref<1000x128xf32, #tpu.memory_space<vmem>>, vector<1000x128xf32>,
    %reduce_sum3A = arith.constant dense<0.000000e+00> : vector<1000xf32>
    %reduce_sum3A_12 = vector.multi_reduction <add>, %add3A_9, %reduce_sum3A [1] : vector<1000x128xf32> to vector<1000xf32>
    %broadcast_in_dim3A = vector.shape_cast %reduce_sum3A_12 : vector<1000xf32> to vector<1000x1xf32>
    %div3A = arith.constant 1.280000e+02 : f32
    %div3A_13 = vector.broadcast %div3A : f32 to vector<1000x1xf32>
    %div3A_14 = arith.divf %broadcast_in_dim3A, %div3A_13 : vector<1000x1xf32>
    %sub3A = vector.broadcast %div3A_14 : vector<1000x1xf32> to vector<1000x128xf32>
    %sub3A_15 = arith.subf %add3A_9, %sub3A : vector<1000x128xf32>
    %sub3A_16 = vector.broadcast %div3A_14 : vector<1000x1xf32> to vector<1000x128xf32>
    %sub3A_17 = arith.subf %add3A_9, %sub3A_16 : vector<1000x128xf32>
    %mul3A = arith.mulf %sub3A_15, %sub3A_17 : vector<1000x128xf32>
    %reduce_sum3A_18 = arith.constant dense<0.000000e+00> : vector<1000xf32>
    %reduce_sum3A_19 = vector.multi_reduction <add>, %mul3A, %reduce_sum3A_18 [1] : vector<1000x128xf32> to vector<1000xf32>
    %broadcast_in_dim3A_20 = vector.shape_cast %reduce_sum3A_19 : vector<1000xf32> to vector<1000x1xf32>
    %div3A_21 = arith.constant 1.280000e+02 : f32
    %div3A_22 = vector.broadcast %div3A_21 : f32 to vector<1000x1xf32>
    %div3A_23 = arith.divf %broadcast_in_dim3A_20, %div3A_22 : vector<1000x1xf32>
    %sub3A_24 = vector.broadcast %div3A_14 : vector<1000x1xf32> to vector<1000x128xf32>
    %sub3A_25 = arith.subf %add3A_9, %sub3A_24 : vector<1000x128xf32>
    %add3A_26 = arith.constant 9.99999974E-6 : f32
    %add3A_27 = vector.broadcast %add3A_26 : f32 to vector<1000x1xf32>
    %add3A_28 = arith.addf %div3A_23, %add3A_27 : vector<1000x1xf32>
    %rsqrt3A = math.rsqrt %add3A_28 : vector<1000x1xf32>
    %mul3A_29 = vector.broadcast %rsqrt3A : vector<1000x1xf32> to vector<1000x128xf32>
    %mul3A_30 = arith.mulf %sub3A_25, %mul3A_29 : vector<1000x128xf32>
    %get3A_31 = arith.constant 0 : index
    %get3A_32 = arith.constant 0 : index
    %get3A_33 = vector.load %arg4[%get3A_31, %get3A_32] : memref<1x128xf32, #tpu.memory_space<vmem>>, vector<1x128xf32>
    %mul3A_34 = vector.broadcast %get3A_33 : vector<1x128xf32> to vector<1000x128xf32>
    %mul3A_35 = arith.mulf %mul3A_30, %mul3A_34 : vector<1000x128xf32>
    %get3A_36 = arith.constant 0 : index
    %get3A_37 = arith.constant 0 : index
    %get3A_38 = vector.load %arg5[%get3A_36, %get3A_37] : memref<1x128xf32, #tpu.memory_space<vmem>>, vector<1x128xf32>
    %add3A_39 = vector.broadcast %get3A_38 : vector<1x128xf32> to vector<1000x128xf32>
    %add3A_40 = arith.addf %mul3A_35, %add3A_39 : vector<1000x128xf32>
    %max3A = arith.constant 0.000000e+00 : f32
    %max3A_41 = vector.broadcast %max3A : f32 to vector<1000x128xf32>
    %max3A_42 = arith.maximumf %add3A_40, %max3A_41 : vector<1000x128xf32>
    %swap3A_43 = arith.constant 0 : index
    %swap3A_44 = arith.constant 0 : index
    %swap3A_45 = vector.load %arg7[%swap3A_43, %swap3A_44] : memref<1000x128xf32, #tpu.memory_space<vmem>>, vector<1000x128xf32>
    tpu.vector_store %arg7[%swap3A_43, %swap3A_44], %max3A_42 {strides = array<i32>} : memref<1000x128xf32, #tpu.memory_space<vmem>>, vector<1000x128xf32>,
    return
  }
  func.func @transform_0(%arg0: i32) -> (i32, i32) {
    %c0_i32 = arith.constant 0 : i32
    %c0_i32_0 = arith.constant 0 : i32
    return %arg0, %c0_i32 : i32, i32
  }
  func.func @transform_1(%arg0: i32) -> (i32, i32) {
    %c0_i32 = arith.constant 0 : i32
    %c0_i32_0 = arith.constant 0 : i32
    %c0_i32_1 = arith.constant 0 : i32
    return %c0_i32, %c0_i32_0 : i32, i32
  }
  func.func @transform_2(%arg0: i32) -> (i32, i32) {
    %c0_i32 = arith.constant 0 : i32
    %c0_i32_0 = arith.constant 0 : i32
    %c0_i32_1 = arith.constant 0 : i32
    return %c0_i32, %c0_i32_0 : i32, i32
  }
  func.func @transform_3(%arg0: i32) -> (i32, i32) {
    %c0_i32 = arith.constant 0 : i32
    %c0_i32_0 = arith.constant 0 : i32
    %c0_i32_1 = arith.constant 0 : i32
    return %c0_i32, %c0_i32_0 : i32, i32
  }
  func.func @transform_4(%arg0: i32) -> (i32, i32) {
    %c0_i32 = arith.constant 0 : i32
    %c0_i32_0 = arith.constant 0 : i32
    %c0_i32_1 = arith.constant 0 : i32
    return %c0_i32, %c0_i32_0 : i32, i32
  }
  func.func @transform_5(%arg0: i32) -> (i32, i32) {
    %c0_i32 = arith.constant 0 : i32
    %c0_i32_0 = arith.constant 0 : i32
    return %arg0, %c0_i32 : i32, i32
  }
  func.func @transform_6(%arg0: i32) -> (i32, i32) {
    %c0_i32 = arith.constant 0 : i32
    %c0_i32_0 = arith.constant 0 : i32
    return %arg0, %c0_i32 : i32, i32
  }
}

module attributes {stable_mosaic.version = 14 : i64} {
  func.func @_post_body(%arg0: i32, %arg1: memref<1000x128xf32, #tpu.memory_space<vmem>>, %arg2: memref<1000x128xf32, #tpu.memory_space<vmem>>, %arg3: memref<1000x128xf32, #tpu.memory_space<vmem>>, %arg4: memref<1000x128xf32, #tpu.memory_space<vmem>>, %arg5: memref<1x128xf32, #tpu.memory_space<vmem>>, %arg6: memref<128x128xf32, #tpu.memory_space<vmem>>, %arg7: memref<1x128xf32, #tpu.memory_space<vmem>>, %arg8: memref<1x128xf32, #tpu.memory_space<vmem>>, %arg9: memref<128x128xf32, #tpu.memory_space<vmem>>, %arg10: memref<1x128xf32, #tpu.memory_space<vmem>>, %arg11: memref<1x128xf32, #tpu.memory_space<vmem>>, %arg12: memref<1x128xf32, #tpu.memory_space<vmem>>, %arg13: memref<1x128xf32, #tpu.memory_space<vmem>>, %arg14: memref<1000x128xf32, #tpu.memory_space<vmem>>, %arg15: memref<1000x128xf32, #tpu.memory_space<vmem>>) attributes {dimension_semantics = [#tpu.dimension_semantics<arbitrary>], iteration_bounds = array<i64: 10>, scalar_prefetch = 0 : i64, scratch_operands = 0 : i64, tpu.core_type = #tpu.core_type<tc>, window_params = [{transform_indices = @transform_0, window_bounds = array<i64: 1000, 128>}, {transform_indices = @transform_1, window_bounds = array<i64: 1000, 128>}, {transform_indices = @transform_2, window_bounds = array<i64: 1000, 128>}, {transform_indices = @transform_3, window_bounds = array<i64: 1000, 128>}, {pipeline_mode = #tpu.pipeline_mode<synchronous>, transform_indices = @transform_4, window_bounds = array<i64: 1, 128>}, {pipeline_mode = #tpu.pipeline_mode<synchronous>, transform_indices = @transform_5, window_bounds = array<i64: 128, 128>}, {pipeline_mode = #tpu.pipeline_mode<synchronous>, transform_indices = @transform_6, window_bounds = array<i64: 1, 128>}, {pipeline_mode = #tpu.pipeline_mode<synchronous>, transform_indices = @transform_7, window_bounds = array<i64: 1, 128>}, {pipeline_mode = #tpu.pipeline_mode<synchronous>, transform_indices = @transform_8, window_bounds = array<i64: 128, 128>}, {pipeline_mode = #tpu.pipeline_mode<synchronous>, transform_indices = @transform_9, window_bounds = array<i64: 1, 128>}, {pipeline_mode = #tpu.pipeline_mode<synchronous>, transform_indices = @transform_10, window_bounds = array<i64: 1, 128>}, {pipeline_mode = #tpu.pipeline_mode<synchronous>, transform_indices = @transform_11, window_bounds = array<i64: 1, 128>}, {pipeline_mode = #tpu.pipeline_mode<synchronous>, transform_indices = @transform_12, window_bounds = array<i64: 1, 128>}, {transform_indices = @transform_13, window_bounds = array<i64: 1000, 128>}, {transform_indices = @transform_14, window_bounds = array<i64: 1000, 128>}]} {
    %get3A = arith.constant 0 : index
    %get3A_0 = arith.constant 0 : index
    %get3A_1 = vector.load %arg2[%get3A, %get3A_0] : memref<1000x128xf32, #tpu.memory_space<vmem>>, vector<1000x128xf32>
    %get3A_2 = arith.constant 0 : index
    %get3A_3 = arith.constant 0 : index
    %get3A_4 = vector.load %arg5[%get3A_2, %get3A_3] : memref<1x128xf32, #tpu.memory_space<vmem>>, vector<1x128xf32>
    %mul3A = vector.broadcast %get3A_4 : vector<1x128xf32> to vector<1000x128xf32>
    %mul3A_5 = arith.mulf %get3A_1, %mul3A : vector<1000x128xf32>
    %get3A_6 = arith.constant 0 : index
    %get3A_7 = arith.constant 0 : index
    %get3A_8 = vector.load %arg3[%get3A_6, %get3A_7] : memref<1000x128xf32, #tpu.memory_space<vmem>>, vector<1000x128xf32>
    %add3A = arith.addf %mul3A_5, %get3A_8 : vector<1000x128xf32>
    %get3A_9 = arith.constant 0 : index
    %get3A_10 = arith.constant 0 : index
    %get3A_11 = vector.load %arg4[%get3A_9, %get3A_10] : memref<1000x128xf32, #tpu.memory_space<vmem>>, vector<1000x128xf32>
    %add3A_12 = arith.addf %add3A, %get3A_11 : vector<1000x128xf32>
    %get3A_13 = arith.constant 0 : index
    %get3A_14 = arith.constant 0 : index
    %get3A_15 = vector.load %arg6[%get3A_13, %get3A_14] : memref<128x128xf32, #tpu.memory_space<vmem>>, vector<128x128xf32>
    %dot_general3A = arith.constant dense<0.000000e+00> : vector<1000x128xf32>
    %dot_general3A_16 = tpu.matmul %add3A_12, %get3A_15, %dot_general3A {dimension_numbers = #tpu.dot_dimension_numbers<[1], [0], [0], [1], [0, 0, 1, 1], [], []>, transpose_lhs_hint = false} : vector<1000x128xf32>, vector<128x128xf32>, vector<1000x128xf32> -> vector<1000x128xf32>
    %get3A_17 = arith.constant 0 : index
    %get3A_18 = arith.constant 0 : index
    %get3A_19 = vector.load %arg7[%get3A_17, %get3A_18] : memref<1x128xf32, #tpu.memory_space<vmem>>, vector<1x128xf32>
    %mul3A_20 = vector.broadcast %get3A_19 : vector<1x128xf32> to vector<1000x128xf32>
    %mul3A_21 = arith.mulf %dot_general3A_16, %mul3A_20 : vector<1000x128xf32>
    %get3A_22 = arith.constant 0 : index
    %get3A_23 = arith.constant 0 : index
    %get3A_24 = vector.load %arg8[%get3A_22, %get3A_23] : memref<1x128xf32, #tpu.memory_space<vmem>>, vector<1x128xf32>
    %add3A_25 = vector.broadcast %get3A_24 : vector<1x128xf32> to vector<1000x128xf32>
    %add3A_26 = arith.addf %mul3A_21, %add3A_25 : vector<1000x128xf32>
    %max3A = arith.constant 0.000000e+00 : f32
    %max3A_27 = vector.broadcast %max3A : f32 to vector<1000x128xf32>
    %max3A_28 = arith.maximumf %add3A_26, %max3A_27 : vector<1000x128xf32>
    %get3A_29 = arith.constant 0 : index
    %get3A_30 = arith.constant 0 : index
    %get3A_31 = vector.load %arg9[%get3A_29, %get3A_30] : memref<128x128xf32, #tpu.memory_space<vmem>>, vector<128x128xf32>
    %dot_general3A_32 = arith.constant dense<0.000000e+00> : vector<1000x128xf32>
    %dot_general3A_33 = tpu.matmul %max3A_28, %get3A_31, %dot_general3A_32 {dimension_numbers = #tpu.dot_dimension_numbers<[1], [0], [0], [1], [0, 0, 1, 1], [], []>, transpose_lhs_hint = false} : vector<1000x128xf32>, vector<128x128xf32>, vector<1000x128xf32> -> vector<1000x128xf32>
    %get3A_34 = arith.constant 0 : index
    %get3A_35 = arith.constant 0 : index
    %get3A_36 = vector.load %arg10[%get3A_34, %get3A_35] : memref<1x128xf32, #tpu.memory_space<vmem>>, vector<1x128xf32>
    %mul3A_37 = vector.broadcast %get3A_36 : vector<1x128xf32> to vector<1000x128xf32>
    %mul3A_38 = arith.mulf %dot_general3A_33, %mul3A_37 : vector<1000x128xf32>
    %get3A_39 = arith.constant 0 : index
    %get3A_40 = arith.constant 0 : index
    %get3A_41 = vector.load %arg11[%get3A_39, %get3A_40] : memref<1x128xf32, #tpu.memory_space<vmem>>, vector<1x128xf32>
    %add3A_42 = vector.broadcast %get3A_41 : vector<1x128xf32> to vector<1000x128xf32>
    %add3A_43 = arith.addf %mul3A_38, %add3A_42 : vector<1000x128xf32>
    %max3A_44 = arith.constant 0.000000e+00 : f32
    %max3A_45 = vector.broadcast %max3A_44 : f32 to vector<1000x128xf32>
    %max3A_46 = arith.maximumf %add3A_43, %max3A_45 : vector<1000x128xf32>
    %get3A_47 = arith.constant 0 : index
    %get3A_48 = arith.constant 0 : index
    %get3A_49 = vector.load %arg1[%get3A_47, %get3A_48] : memref<1000x128xf32, #tpu.memory_space<vmem>>, vector<1000x128xf32>
    %add3A_50 = arith.addf %get3A_49, %max3A_46 : vector<1000x128xf32>
    %swap3A = arith.constant 0 : index
    %swap3A_51 = arith.constant 0 : index
    %swap3A_52 = vector.load %arg14[%swap3A, %swap3A_51] : memref<1000x128xf32, #tpu.memory_space<vmem>>, vector<1000x128xf32>
    tpu.vector_store %arg14[%swap3A, %swap3A_51], %add3A_50 {strides = array<i32>} : memref<1000x128xf32, #tpu.memory_space<vmem>>, vector<1000x128xf32>,
    %reduce_sum3A = arith.constant dense<0.000000e+00> : vector<1000xf32>
    %reduce_sum3A_53 = vector.multi_reduction <add>, %add3A_50, %reduce_sum3A [1] : vector<1000x128xf32> to vector<1000xf32>
    %broadcast_in_dim3A = vector.shape_cast %reduce_sum3A_53 : vector<1000xf32> to vector<1000x1xf32>
    %div3A = arith.constant 1.280000e+02 : f32
    %div3A_54 = vector.broadcast %div3A : f32 to vector<1000x1xf32>
    %div3A_55 = arith.divf %broadcast_in_dim3A, %div3A_54 : vector<1000x1xf32>
    %sub3A = vector.broadcast %div3A_55 : vector<1000x1xf32> to vector<1000x128xf32>
    %sub3A_56 = arith.subf %add3A_50, %sub3A : vector<1000x128xf32>
    %sub3A_57 = vector.broadcast %div3A_55 : vector<1000x1xf32> to vector<1000x128xf32>
    %sub3A_58 = arith.subf %add3A_50, %sub3A_57 : vector<1000x128xf32>
    %mul3A_59 = arith.mulf %sub3A_56, %sub3A_58 : vector<1000x128xf32>
    %reduce_sum3A_60 = arith.constant dense<0.000000e+00> : vector<1000xf32>
    %reduce_sum3A_61 = vector.multi_reduction <add>, %mul3A_59, %reduce_sum3A_60 [1] : vector<1000x128xf32> to vector<1000xf32>
    %broadcast_in_dim3A_62 = vector.shape_cast %reduce_sum3A_61 : vector<1000xf32> to vector<1000x1xf32>
    %div3A_63 = arith.constant 1.280000e+02 : f32
    %div3A_64 = vector.broadcast %div3A_63 : f32 to vector<1000x1xf32>
    %div3A_65 = arith.divf %broadcast_in_dim3A_62, %div3A_64 : vector<1000x1xf32>
    %sub3A_66 = vector.broadcast %div3A_55 : vector<1000x1xf32> to vector<1000x128xf32>
    %sub3A_67 = arith.subf %add3A_50, %sub3A_66 : vector<1000x128xf32>
    %add3A_68 = arith.constant 9.99999974E-6 : f32
    %add3A_69 = vector.broadcast %add3A_68 : f32 to vector<1000x1xf32>
    %add3A_70 = arith.addf %div3A_65, %add3A_69 : vector<1000x1xf32>
    %rsqrt3A = math.rsqrt %add3A_70 : vector<1000x1xf32>
    %mul3A_71 = vector.broadcast %rsqrt3A : vector<1000x1xf32> to vector<1000x128xf32>
    %mul3A_72 = arith.mulf %sub3A_67, %mul3A_71 : vector<1000x128xf32>
    %get3A_73 = arith.constant 0 : index
    %get3A_74 = arith.constant 0 : index
    %get3A_75 = vector.load %arg12[%get3A_73, %get3A_74] : memref<1x128xf32, #tpu.memory_space<vmem>>, vector<1x128xf32>
    %mul3A_76 = vector.broadcast %get3A_75 : vector<1x128xf32> to vector<1000x128xf32>
    %mul3A_77 = arith.mulf %mul3A_72, %mul3A_76 : vector<1000x128xf32>
    %get3A_78 = arith.constant 0 : index
    %get3A_79 = arith.constant 0 : index
    %get3A_80 = vector.load %arg13[%get3A_78, %get3A_79] : memref<1x128xf32, #tpu.memory_space<vmem>>, vector<1x128xf32>
    %add3A_81 = vector.broadcast %get3A_80 : vector<1x128xf32> to vector<1000x128xf32>
    %add3A_82 = arith.addf %mul3A_77, %add3A_81 : vector<1000x128xf32>
    %max3A_83 = arith.constant 0.000000e+00 : f32
    %max3A_84 = vector.broadcast %max3A_83 : f32 to vector<1000x128xf32>
    %max3A_85 = arith.maximumf %add3A_82, %max3A_84 : vector<1000x128xf32>
    %swap3A_86 = arith.constant 0 : index
    %swap3A_87 = arith.constant 0 : index
    %swap3A_88 = vector.load %arg15[%swap3A_86, %swap3A_87] : memref<1000x128xf32, #tpu.memory_space<vmem>>, vector<1000x128xf32>
    tpu.vector_store %arg15[%swap3A_86, %swap3A_87], %max3A_85 {strides = array<i32>} : memref<1000x128xf32, #tpu.memory_space<vmem>>, vector<1000x128xf32>,
    return
  }
  func.func @transform_0(%arg0: i32) -> (i32, i32) {
    %c0_i32 = arith.constant 0 : i32
    %c0_i32_0 = arith.constant 0 : i32
    return %arg0, %c0_i32 : i32, i32
  }
  func.func @transform_1(%arg0: i32) -> (i32, i32) {
    %c0_i32 = arith.constant 0 : i32
    %c0_i32_0 = arith.constant 0 : i32
    return %arg0, %c0_i32 : i32, i32
  }
  func.func @transform_2(%arg0: i32) -> (i32, i32) {
    %c0_i32 = arith.constant 0 : i32
    %c0_i32_0 = arith.constant 0 : i32
    return %arg0, %c0_i32 : i32, i32
  }
  func.func @transform_3(%arg0: i32) -> (i32, i32) {
    %c0_i32 = arith.constant 0 : i32
    %c0_i32_0 = arith.constant 0 : i32
    return %arg0, %c0_i32 : i32, i32
  }
  func.func @transform_4(%arg0: i32) -> (i32, i32) {
    %c0_i32 = arith.constant 0 : i32
    %c0_i32_0 = arith.constant 0 : i32
    %c0_i32_1 = arith.constant 0 : i32
    return %c0_i32, %c0_i32_0 : i32, i32
  }
  func.func @transform_5(%arg0: i32) -> (i32, i32) {
    %c0_i32 = arith.constant 0 : i32
    %c0_i32_0 = arith.constant 0 : i32
    %c0_i32_1 = arith.constant 0 : i32
    return %c0_i32, %c0_i32_0 : i32, i32
  }
  func.func @transform_6(%arg0: i32) -> (i32, i32) {
    %c0_i32 = arith.constant 0 : i32
    %c0_i32_0 = arith.constant 0 : i32
    %c0_i32_1 = arith.constant 0 : i32
    return %c0_i32, %c0_i32_0 : i32, i32
  }
  func.func @transform_7(%arg0: i32) -> (i32, i32) {
    %c0_i32 = arith.constant 0 : i32
    %c0_i32_0 = arith.constant 0 : i32
    %c0_i32_1 = arith.constant 0 : i32
    return %c0_i32, %c0_i32_0 : i32, i32
  }
  func.func @transform_8(%arg0: i32) -> (i32, i32) {
    %c0_i32 = arith.constant 0 : i32
    %c0_i32_0 = arith.constant 0 : i32
    %c0_i32_1 = arith.constant 0 : i32
    return %c0_i32, %c0_i32_0 : i32, i32
  }
  func.func @transform_9(%arg0: i32) -> (i32, i32) {
    %c0_i32 = arith.constant 0 : i32
    %c0_i32_0 = arith.constant 0 : i32
    %c0_i32_1 = arith.constant 0 : i32
    return %c0_i32, %c0_i32_0 : i32, i32
  }
  func.func @transform_10(%arg0: i32) -> (i32, i32) {
    %c0_i32 = arith.constant 0 : i32
    %c0_i32_0 = arith.constant 0 : i32
    %c0_i32_1 = arith.constant 0 : i32
    return %c0_i32, %c0_i32_0 : i32, i32
  }
  func.func @transform_11(%arg0: i32) -> (i32, i32) {
    %c0_i32 = arith.constant 0 : i32
    %c0_i32_0 = arith.constant 0 : i32
    %c0_i32_1 = arith.constant 0 : i32
    return %c0_i32, %c0_i32_0 : i32, i32
  }
  func.func @transform_12(%arg0: i32) -> (i32, i32) {
    %c0_i32 = arith.constant 0 : i32
    %c0_i32_0 = arith.constant 0 : i32
    %c0_i32_1 = arith.constant 0 : i32
    return %c0_i32, %c0_i32_0 : i32, i32
  }
  func.func @transform_13(%arg0: i32) -> (i32, i32) {
    %c0_i32 = arith.constant 0 : i32
    %c0_i32_0 = arith.constant 0 : i32
    return %arg0, %c0_i32 : i32, i32
  }
  func.func @transform_14(%arg0: i32) -> (i32, i32) {
    %c0_i32 = arith.constant 0 : i32
    %c0_i32_0 = arith.constant 0 : i32
    return %arg0, %c0_i32 : i32, i32
  }
}

module attributes {stable_mosaic.version = 14 : i64} {
  func.func @_post_body(%arg0: i32, %arg1: memref<1000x128xf32, #tpu.memory_space<vmem>>, %arg2: memref<1000x128xf32, #tpu.memory_space<vmem>>, %arg3: memref<1000x128xf32, #tpu.memory_space<vmem>>, %arg4: memref<1000x128xf32, #tpu.memory_space<vmem>>, %arg5: memref<1x128xf32, #tpu.memory_space<vmem>>, %arg6: memref<128x128xf32, #tpu.memory_space<vmem>>, %arg7: memref<1x128xf32, #tpu.memory_space<vmem>>, %arg8: memref<1x128xf32, #tpu.memory_space<vmem>>, %arg9: memref<128x128xf32, #tpu.memory_space<vmem>>, %arg10: memref<1x128xf32, #tpu.memory_space<vmem>>, %arg11: memref<1x128xf32, #tpu.memory_space<vmem>>, %arg12: memref<1x128xf32, #tpu.memory_space<vmem>>, %arg13: memref<1x128xf32, #tpu.memory_space<vmem>>, %arg14: memref<1000x128xf32, #tpu.memory_space<vmem>>, %arg15: memref<1000x128xf32, #tpu.memory_space<vmem>>) attributes {dimension_semantics = [#tpu.dimension_semantics<arbitrary>], iteration_bounds = array<i64: 10>, scalar_prefetch = 0 : i64, scratch_operands = 0 : i64, tpu.core_type = #tpu.core_type<tc>, window_params = [{transform_indices = @transform_0, window_bounds = array<i64: 1000, 128>}, {transform_indices = @transform_1, window_bounds = array<i64: 1000, 128>}, {transform_indices = @transform_2, window_bounds = array<i64: 1000, 128>}, {transform_indices = @transform_3, window_bounds = array<i64: 1000, 128>}, {pipeline_mode = #tpu.pipeline_mode<synchronous>, transform_indices = @transform_4, window_bounds = array<i64: 1, 128>}, {pipeline_mode = #tpu.pipeline_mode<synchronous>, transform_indices = @transform_5, window_bounds = array<i64: 128, 128>}, {pipeline_mode = #tpu.pipeline_mode<synchronous>, transform_indices = @transform_6, window_bounds = array<i64: 1, 128>}, {pipeline_mode = #tpu.pipeline_mode<synchronous>, transform_indices = @transform_7, window_bounds = array<i64: 1, 128>}, {pipeline_mode = #tpu.pipeline_mode<synchronous>, transform_indices = @transform_8, window_bounds = array<i64: 128, 128>}, {pipeline_mode = #tpu.pipeline_mode<synchronous>, transform_indices = @transform_9, window_bounds = array<i64: 1, 128>}, {pipeline_mode = #tpu.pipeline_mode<synchronous>, transform_indices = @transform_10, window_bounds = array<i64: 1, 128>}, {pipeline_mode = #tpu.pipeline_mode<synchronous>, transform_indices = @transform_11, window_bounds = array<i64: 1, 128>}, {pipeline_mode = #tpu.pipeline_mode<synchronous>, transform_indices = @transform_12, window_bounds = array<i64: 1, 128>}, {transform_indices = @transform_13, window_bounds = array<i64: 1000, 128>}, {transform_indices = @transform_14, window_bounds = array<i64: 1000, 128>}]} {
    %get3A = arith.constant 0 : index
    %get3A_0 = arith.constant 0 : index
    %get3A_1 = vector.load %arg2[%get3A, %get3A_0] : memref<1000x128xf32, #tpu.memory_space<vmem>>, vector<1000x128xf32>
    %get3A_2 = arith.constant 0 : index
    %get3A_3 = arith.constant 0 : index
    %get3A_4 = vector.load %arg5[%get3A_2, %get3A_3] : memref<1x128xf32, #tpu.memory_space<vmem>>, vector<1x128xf32>
    %mul3A = vector.broadcast %get3A_4 : vector<1x128xf32> to vector<1000x128xf32>
    %mul3A_5 = arith.mulf %get3A_1, %mul3A : vector<1000x128xf32>
    %get3A_6 = arith.constant 0 : index
    %get3A_7 = arith.constant 0 : index
    %get3A_8 = vector.load %arg3[%get3A_6, %get3A_7] : memref<1000x128xf32, #tpu.memory_space<vmem>>, vector<1000x128xf32>
    %add3A = arith.addf %mul3A_5, %get3A_8 : vector<1000x128xf32>
    %get3A_9 = arith.constant 0 : index
    %get3A_10 = arith.constant 0 : index
    %get3A_11 = vector.load %arg4[%get3A_9, %get3A_10] : memref<1000x128xf32, #tpu.memory_space<vmem>>, vector<1000x128xf32>
    %add3A_12 = arith.addf %add3A, %get3A_11 : vector<1000x128xf32>
    %get3A_13 = arith.constant 0 : index
    %get3A_14 = arith.constant 0 : index
    %get3A_15 = vector.load %arg6[%get3A_13, %get3A_14] : memref<128x128xf32, #tpu.memory_space<vmem>>, vector<128x128xf32>
    %dot_general3A = arith.constant dense<0.000000e+00> : vector<1000x128xf32>
    %dot_general3A_16 = tpu.matmul %add3A_12, %get3A_15, %dot_general3A {dimension_numbers = #tpu.dot_dimension_numbers<[1], [0], [0], [1], [0, 0, 1, 1], [], []>, transpose_lhs_hint = false} : vector<1000x128xf32>, vector<128x128xf32>, vector<1000x128xf32> -> vector<1000x128xf32>
    %get3A_17 = arith.constant 0 : index
    %get3A_18 = arith.constant 0 : index
    %get3A_19 = vector.load %arg7[%get3A_17, %get3A_18] : memref<1x128xf32, #tpu.memory_space<vmem>>, vector<1x128xf32>
    %mul3A_20 = vector.broadcast %get3A_19 : vector<1x128xf32> to vector<1000x128xf32>
    %mul3A_21 = arith.mulf %dot_general3A_16, %mul3A_20 : vector<1000x128xf32>
    %get3A_22 = arith.constant 0 : index
    %get3A_23 = arith.constant 0 : index
    %get3A_24 = vector.load %arg8[%get3A_22, %get3A_23] : memref<1x128xf32, #tpu.memory_space<vmem>>, vector<1x128xf32>
    %add3A_25 = vector.broadcast %get3A_24 : vector<1x128xf32> to vector<1000x128xf32>
    %add3A_26 = arith.addf %mul3A_21, %add3A_25 : vector<1000x128xf32>
    %max3A = arith.constant 0.000000e+00 : f32
    %max3A_27 = vector.broadcast %max3A : f32 to vector<1000x128xf32>
    %max3A_28 = arith.maximumf %add3A_26, %max3A_27 : vector<1000x128xf32>
    %get3A_29 = arith.constant 0 : index
    %get3A_30 = arith.constant 0 : index
    %get3A_31 = vector.load %arg9[%get3A_29, %get3A_30] : memref<128x128xf32, #tpu.memory_space<vmem>>, vector<128x128xf32>
    %dot_general3A_32 = arith.constant dense<0.000000e+00> : vector<1000x128xf32>
    %dot_general3A_33 = tpu.matmul %max3A_28, %get3A_31, %dot_general3A_32 {dimension_numbers = #tpu.dot_dimension_numbers<[1], [0], [0], [1], [0, 0, 1, 1], [], []>, transpose_lhs_hint = false} : vector<1000x128xf32>, vector<128x128xf32>, vector<1000x128xf32> -> vector<1000x128xf32>
    %get3A_34 = arith.constant 0 : index
    %get3A_35 = arith.constant 0 : index
    %get3A_36 = vector.load %arg10[%get3A_34, %get3A_35] : memref<1x128xf32, #tpu.memory_space<vmem>>, vector<1x128xf32>
    %mul3A_37 = vector.broadcast %get3A_36 : vector<1x128xf32> to vector<1000x128xf32>
    %mul3A_38 = arith.mulf %dot_general3A_33, %mul3A_37 : vector<1000x128xf32>
    %get3A_39 = arith.constant 0 : index
    %get3A_40 = arith.constant 0 : index
    %get3A_41 = vector.load %arg11[%get3A_39, %get3A_40] : memref<1x128xf32, #tpu.memory_space<vmem>>, vector<1x128xf32>
    %add3A_42 = vector.broadcast %get3A_41 : vector<1x128xf32> to vector<1000x128xf32>
    %add3A_43 = arith.addf %mul3A_38, %add3A_42 : vector<1000x128xf32>
    %max3A_44 = arith.constant 0.000000e+00 : f32
    %max3A_45 = vector.broadcast %max3A_44 : f32 to vector<1000x128xf32>
    %max3A_46 = arith.maximumf %add3A_43, %max3A_45 : vector<1000x128xf32>
    %get3A_47 = arith.constant 0 : index
    %get3A_48 = arith.constant 0 : index
    %get3A_49 = vector.load %arg1[%get3A_47, %get3A_48] : memref<1000x128xf32, #tpu.memory_space<vmem>>, vector<1000x128xf32>
    %add3A_50 = arith.addf %get3A_49, %max3A_46 : vector<1000x128xf32>
    %swap3A = arith.constant 0 : index
    %swap3A_51 = arith.constant 0 : index
    %swap3A_52 = vector.load %arg14[%swap3A, %swap3A_51] : memref<1000x128xf32, #tpu.memory_space<vmem>>, vector<1000x128xf32>
    tpu.vector_store %arg14[%swap3A, %swap3A_51], %add3A_50 {strides = array<i32>} : memref<1000x128xf32, #tpu.memory_space<vmem>>, vector<1000x128xf32>,
    %reduce_sum3A = arith.constant dense<0.000000e+00> : vector<1000xf32>
    %reduce_sum3A_53 = vector.multi_reduction <add>, %add3A_50, %reduce_sum3A [1] : vector<1000x128xf32> to vector<1000xf32>
    %broadcast_in_dim3A = vector.shape_cast %reduce_sum3A_53 : vector<1000xf32> to vector<1000x1xf32>
    %div3A = arith.constant 1.280000e+02 : f32
    %div3A_54 = vector.broadcast %div3A : f32 to vector<1000x1xf32>
    %div3A_55 = arith.divf %broadcast_in_dim3A, %div3A_54 : vector<1000x1xf32>
    %sub3A = vector.broadcast %div3A_55 : vector<1000x1xf32> to vector<1000x128xf32>
    %sub3A_56 = arith.subf %add3A_50, %sub3A : vector<1000x128xf32>
    %sub3A_57 = vector.broadcast %div3A_55 : vector<1000x1xf32> to vector<1000x128xf32>
    %sub3A_58 = arith.subf %add3A_50, %sub3A_57 : vector<1000x128xf32>
    %mul3A_59 = arith.mulf %sub3A_56, %sub3A_58 : vector<1000x128xf32>
    %reduce_sum3A_60 = arith.constant dense<0.000000e+00> : vector<1000xf32>
    %reduce_sum3A_61 = vector.multi_reduction <add>, %mul3A_59, %reduce_sum3A_60 [1] : vector<1000x128xf32> to vector<1000xf32>
    %broadcast_in_dim3A_62 = vector.shape_cast %reduce_sum3A_61 : vector<1000xf32> to vector<1000x1xf32>
    %div3A_63 = arith.constant 1.280000e+02 : f32
    %div3A_64 = vector.broadcast %div3A_63 : f32 to vector<1000x1xf32>
    %div3A_65 = arith.divf %broadcast_in_dim3A_62, %div3A_64 : vector<1000x1xf32>
    %sub3A_66 = vector.broadcast %div3A_55 : vector<1000x1xf32> to vector<1000x128xf32>
    %sub3A_67 = arith.subf %add3A_50, %sub3A_66 : vector<1000x128xf32>
    %add3A_68 = arith.constant 9.99999974E-6 : f32
    %add3A_69 = vector.broadcast %add3A_68 : f32 to vector<1000x1xf32>
    %add3A_70 = arith.addf %div3A_65, %add3A_69 : vector<1000x1xf32>
    %rsqrt3A = math.rsqrt %add3A_70 : vector<1000x1xf32>
    %mul3A_71 = vector.broadcast %rsqrt3A : vector<1000x1xf32> to vector<1000x128xf32>
    %mul3A_72 = arith.mulf %sub3A_67, %mul3A_71 : vector<1000x128xf32>
    %get3A_73 = arith.constant 0 : index
    %get3A_74 = arith.constant 0 : index
    %get3A_75 = vector.load %arg12[%get3A_73, %get3A_74] : memref<1x128xf32, #tpu.memory_space<vmem>>, vector<1x128xf32>
    %mul3A_76 = vector.broadcast %get3A_75 : vector<1x128xf32> to vector<1000x128xf32>
    %mul3A_77 = arith.mulf %mul3A_72, %mul3A_76 : vector<1000x128xf32>
    %get3A_78 = arith.constant 0 : index
    %get3A_79 = arith.constant 0 : index
    %get3A_80 = vector.load %arg13[%get3A_78, %get3A_79] : memref<1x128xf32, #tpu.memory_space<vmem>>, vector<1x128xf32>
    %add3A_81 = vector.broadcast %get3A_80 : vector<1x128xf32> to vector<1000x128xf32>
    %add3A_82 = arith.addf %mul3A_77, %add3A_81 : vector<1000x128xf32>
    %max3A_83 = arith.constant 0.000000e+00 : f32
    %max3A_84 = vector.broadcast %max3A_83 : f32 to vector<1000x128xf32>
    %max3A_85 = arith.maximumf %add3A_82, %max3A_84 : vector<1000x128xf32>
    %swap3A_86 = arith.constant 0 : index
    %swap3A_87 = arith.constant 0 : index
    %swap3A_88 = vector.load %arg15[%swap3A_86, %swap3A_87] : memref<1000x128xf32, #tpu.memory_space<vmem>>, vector<1000x128xf32>
    tpu.vector_store %arg15[%swap3A_86, %swap3A_87], %max3A_85 {strides = array<i32>} : memref<1000x128xf32, #tpu.memory_space<vmem>>, vector<1000x128xf32>,
    return
  }
  func.func @transform_0(%arg0: i32) -> (i32, i32) {
    %c0_i32 = arith.constant 0 : i32
    %c0_i32_0 = arith.constant 0 : i32
    return %arg0, %c0_i32 : i32, i32
  }
  func.func @transform_1(%arg0: i32) -> (i32, i32) {
    %c0_i32 = arith.constant 0 : i32
    %c0_i32_0 = arith.constant 0 : i32
    return %arg0, %c0_i32 : i32, i32
  }
  func.func @transform_2(%arg0: i32) -> (i32, i32) {
    %c0_i32 = arith.constant 0 : i32
    %c0_i32_0 = arith.constant 0 : i32
    return %arg0, %c0_i32 : i32, i32
  }
  func.func @transform_3(%arg0: i32) -> (i32, i32) {
    %c0_i32 = arith.constant 0 : i32
    %c0_i32_0 = arith.constant 0 : i32
    return %arg0, %c0_i32 : i32, i32
  }
  func.func @transform_4(%arg0: i32) -> (i32, i32) {
    %c0_i32 = arith.constant 0 : i32
    %c0_i32_0 = arith.constant 0 : i32
    %c0_i32_1 = arith.constant 0 : i32
    return %c0_i32, %c0_i32_0 : i32, i32
  }
  func.func @transform_5(%arg0: i32) -> (i32, i32) {
    %c0_i32 = arith.constant 0 : i32
    %c0_i32_0 = arith.constant 0 : i32
    %c0_i32_1 = arith.constant 0 : i32
    return %c0_i32, %c0_i32_0 : i32, i32
  }
  func.func @transform_6(%arg0: i32) -> (i32, i32) {
    %c0_i32 = arith.constant 0 : i32
    %c0_i32_0 = arith.constant 0 : i32
    %c0_i32_1 = arith.constant 0 : i32
    return %c0_i32, %c0_i32_0 : i32, i32
  }
  func.func @transform_7(%arg0: i32) -> (i32, i32) {
    %c0_i32 = arith.constant 0 : i32
    %c0_i32_0 = arith.constant 0 : i32
    %c0_i32_1 = arith.constant 0 : i32
    return %c0_i32, %c0_i32_0 : i32, i32
  }
  func.func @transform_8(%arg0: i32) -> (i32, i32) {
    %c0_i32 = arith.constant 0 : i32
    %c0_i32_0 = arith.constant 0 : i32
    %c0_i32_1 = arith.constant 0 : i32
    return %c0_i32, %c0_i32_0 : i32, i32
  }
  func.func @transform_9(%arg0: i32) -> (i32, i32) {
    %c0_i32 = arith.constant 0 : i32
    %c0_i32_0 = arith.constant 0 : i32
    %c0_i32_1 = arith.constant 0 : i32
    return %c0_i32, %c0_i32_0 : i32, i32
  }
  func.func @transform_10(%arg0: i32) -> (i32, i32) {
    %c0_i32 = arith.constant 0 : i32
    %c0_i32_0 = arith.constant 0 : i32
    %c0_i32_1 = arith.constant 0 : i32
    return %c0_i32, %c0_i32_0 : i32, i32
  }
  func.func @transform_11(%arg0: i32) -> (i32, i32) {
    %c0_i32 = arith.constant 0 : i32
    %c0_i32_0 = arith.constant 0 : i32
    %c0_i32_1 = arith.constant 0 : i32
    return %c0_i32, %c0_i32_0 : i32, i32
  }
  func.func @transform_12(%arg0: i32) -> (i32, i32) {
    %c0_i32 = arith.constant 0 : i32
    %c0_i32_0 = arith.constant 0 : i32
    %c0_i32_1 = arith.constant 0 : i32
    return %c0_i32, %c0_i32_0 : i32, i32
  }
  func.func @transform_13(%arg0: i32) -> (i32, i32) {
    %c0_i32 = arith.constant 0 : i32
    %c0_i32_0 = arith.constant 0 : i32
    return %arg0, %c0_i32 : i32, i32
  }
  func.func @transform_14(%arg0: i32) -> (i32, i32) {
    %c0_i32 = arith.constant 0 : i32
    %c0_i32_0 = arith.constant 0 : i32
    return %arg0, %c0_i32 : i32, i32
  }
}

module attributes {stable_mosaic.version = 14 : i64} {
  func.func @_pool_body(%arg0: i32, %arg1: memref<1000x128xf32, #tpu.memory_space<vmem>>, %arg2: memref<1x1x1000xi32, #tpu.memory_space<vmem>>, %arg3: memref<16x128xf32, #tpu.memory_space<vmem>>, %arg4: memref<16x128xf32, #tpu.memory_space<vmem>>, %arg5: memref<16x128xf32, #tpu.memory_space<vmem>>) attributes {dimension_semantics = [#tpu.dimension_semantics<arbitrary>], iteration_bounds = array<i64: 10>, scalar_prefetch = 0 : i64, scratch_operands = 2 : i64, tpu.core_type = #tpu.core_type<tc>, window_params = [{transform_indices = @transform_0, window_bounds = array<i64: 1000, 128>}, {transform_indices = @transform_1, window_bounds = array<i64: 1, 1, 1000>}, {pipeline_mode = #tpu.pipeline_mode<synchronous>, transform_indices = @transform_2, window_bounds = array<i64: 16, 128>}]} {
    %eq3A = arith.constant 0 : i32
    %eq3A_0 = arith.cmpi eq, %arg0, %eq3A : i32
    %convert_element_type3A = arith.extui %eq3A_0 : i1 to i32
    %cond3A = arith.constant 0 : i32
    %cond3A_1 = arith.cmpi ne, %convert_element_type3A, %cond3A : i32
    scf.if %cond3A_1 {
      %broadcast_in_dim3A_34 = arith.constant 0.000000e+00 : f32
      %broadcast_in_dim3A_35 = vector.broadcast %broadcast_in_dim3A_34 : f32 to vector<16x128xf32>
      %swap3A_36 = arith.constant 0 : index
      %swap3A_37 = arith.constant 0 : index
      %swap3A_38 = vector.load %arg4[%swap3A_36, %swap3A_37] : memref<16x128xf32, #tpu.memory_space<vmem>>, vector<16x128xf32>
      tpu.vector_store %arg4[%swap3A_36, %swap3A_37], %broadcast_in_dim3A_35 {strides = array<i32>} : memref<16x128xf32, #tpu.memory_space<vmem>>, vector<16x128xf32>,
      %broadcast_in_dim3A_39 = arith.constant 0.000000e+00 : f32
      %broadcast_in_dim3A_40 = vector.broadcast %broadcast_in_dim3A_39 : f32 to vector<16x128xf32>
      %swap3A_41 = arith.constant 0 : index
      %swap3A_42 = arith.constant 0 : index
      %swap3A_43 = vector.load %arg5[%swap3A_41, %swap3A_42] : memref<16x128xf32, #tpu.memory_space<vmem>>, vector<16x128xf32>
      tpu.vector_store %arg5[%swap3A_41, %swap3A_42], %broadcast_in_dim3A_40 {strides = array<i32>} : memref<16x128xf32, #tpu.memory_space<vmem>>, vector<16x128xf32>,
    } else {
    }
    %get3A = arith.constant 0 : index
    %get3A_2 = arith.constant 0 : index
    %get3A_3 = arith.constant 0 : index
    %get3A_4 = vector.load %arg2[%get3A, %get3A_2, %get3A_3] : memref<1x1x1000xi32, #tpu.memory_space<vmem>>, vector<1x1x1000xi32>
    %reshape3A = vector.shape_cast %get3A_4 : vector<1x1x1000xi32> to vector<1x1000xi32>
    %iota3A = tpu.iota {dimensions = array<i32: 0>} : vector<16x1000xi32>
    %broadcast_in_dim3A = vector.shape_cast %reshape3A : vector<1x1000xi32> to vector<1x1000xi32>
    %broadcast_in_dim3A_5 = vector.broadcast %broadcast_in_dim3A : vector<1x1000xi32> to vector<16x1000xi32>
    %eq3A_6 = arith.cmpi eq, %iota3A, %broadcast_in_dim3A_5 : vector<16x1000xi32>
    %convert_element_type3A_7 = arith.extui %eq3A_6 : vector<16x1000xi1> to vector<16x1000xi32>
    %convert_element_type3A_8 = arith.sitofp %convert_element_type3A_7 : vector<16x1000xi32> to vector<16x1000xf32>
    %get3A_9 = arith.constant 0 : index
    %get3A_10 = arith.constant 0 : index
    %get3A_11 = vector.load %arg4[%get3A_9, %get3A_10] : memref<16x128xf32, #tpu.memory_space<vmem>>, vector<16x128xf32>
    %get3A_12 = arith.constant 0 : index
    %get3A_13 = arith.constant 0 : index
    %get3A_14 = vector.load %arg1[%get3A_12, %get3A_13] : memref<1000x128xf32, #tpu.memory_space<vmem>>, vector<1000x128xf32>
    %dot_general3A = arith.constant dense<0.000000e+00> : vector<16x128xf32>
    %dot_general3A_15 = tpu.matmul %convert_element_type3A_8, %get3A_14, %dot_general3A {dimension_numbers = #tpu.dot_dimension_numbers<[1], [0], [0], [1], [0, 0, 1, 1], [], []>, transpose_lhs_hint = false} : vector<16x1000xf32>, vector<1000x128xf32>, vector<16x128xf32> -> vector<16x128xf32>
    %add3A = arith.addf %get3A_11, %dot_general3A_15 : vector<16x128xf32>
    %swap3A = arith.constant 0 : index
    %swap3A_16 = arith.constant 0 : index
    %swap3A_17 = vector.load %arg4[%swap3A, %swap3A_16] : memref<16x128xf32, #tpu.memory_space<vmem>>, vector<16x128xf32>
    tpu.vector_store %arg4[%swap3A, %swap3A_16], %add3A {strides = array<i32>} : memref<16x128xf32, #tpu.memory_space<vmem>>, vector<16x128xf32>,
    %get3A_18 = arith.constant 0 : index
    %get3A_19 = arith.constant 0 : index
    %get3A_20 = vector.load %arg5[%get3A_18, %get3A_19] : memref<16x128xf32, #tpu.memory_space<vmem>>, vector<16x128xf32>
    %reduce_sum3A = arith.constant dense<0.000000e+00> : vector<16xf32>
    %reduce_sum3A_21 = vector.multi_reduction <add>, %convert_element_type3A_8, %reduce_sum3A [1] : vector<16x1000xf32> to vector<16xf32>
    %broadcast_in_dim3A_22 = vector.shape_cast %reduce_sum3A_21 : vector<16xf32> to vector<16x1xf32>
    %broadcast_in_dim3A_23 = vector.shape_cast %broadcast_in_dim3A_22 : vector<16x1xf32> to vector<16x1xf32>
    %broadcast_in_dim3A_24 = vector.broadcast %broadcast_in_dim3A_23 : vector<16x1xf32> to vector<16x128xf32>
    %add3A_25 = arith.addf %get3A_20, %broadcast_in_dim3A_24 : vector<16x128xf32>
    %swap3A_26 = arith.constant 0 : index
    %swap3A_27 = arith.constant 0 : index
    %swap3A_28 = vector.load %arg5[%swap3A_26, %swap3A_27] : memref<16x128xf32, #tpu.memory_space<vmem>>, vector<16x128xf32>
    tpu.vector_store %arg5[%swap3A_26, %swap3A_27], %add3A_25 {strides = array<i32>} : memref<16x128xf32, #tpu.memory_space<vmem>>, vector<16x128xf32>,
    %eq3A_29 = arith.constant 9 : i32
    %eq3A_30 = arith.cmpi eq, %arg0, %eq3A_29 : i32
    %convert_element_type3A_31 = arith.extui %eq3A_30 : i1 to i32
    %cond3A_32 = arith.constant 0 : i32
    %cond3A_33 = arith.cmpi ne, %convert_element_type3A_31, %cond3A_32 : i32
    scf.if %cond3A_33 {
      %get3A_34 = arith.constant 0 : index
      %get3A_35 = arith.constant 0 : index
      %get3A_36 = vector.load %arg4[%get3A_34, %get3A_35] : memref<16x128xf32, #tpu.memory_space<vmem>>, vector<16x128xf32>
      %get3A_37 = arith.constant 0 : index
      %get3A_38 = arith.constant 0 : index
      %get3A_39 = vector.load %arg5[%get3A_37, %get3A_38] : memref<16x128xf32, #tpu.memory_space<vmem>>, vector<16x128xf32>
      %max3A = arith.constant 1.000000e+00 : f32
      %max3A_40 = vector.broadcast %max3A : f32 to vector<16x128xf32>
      %max3A_41 = arith.maximumf %get3A_39, %max3A_40 : vector<16x128xf32>
      %div3A = arith.divf %get3A_36, %max3A_41 : vector<16x128xf32>
      %swap3A_42 = arith.constant 0 : index
      %swap3A_43 = arith.constant 0 : index
      %swap3A_44 = vector.load %arg3[%swap3A_42, %swap3A_43] : memref<16x128xf32, #tpu.memory_space<vmem>>, vector<16x128xf32>
      tpu.vector_store %arg3[%swap3A_42, %swap3A_43], %div3A {strides = array<i32>} : memref<16x128xf32, #tpu.memory_space<vmem>>, vector<16x128xf32>,
    } else {
    }
    return
  }
  func.func @transform_0(%arg0: i32) -> (i32, i32) {
    %c0_i32 = arith.constant 0 : i32
    %c0_i32_0 = arith.constant 0 : i32
    return %arg0, %c0_i32 : i32, i32
  }
  func.func @transform_1(%arg0: i32) -> (i32, i32, i32) {
    %c0_i32 = arith.constant 0 : i32
    %c0_i32_0 = arith.constant 0 : i32
    %c0_i32_1 = arith.constant 0 : i32
    return %arg0, %c0_i32, %c0_i32_0 : i32, i32, i32
  }
  func.func @transform_2(%arg0: i32) -> (i32, i32) {
    %c0_i32 = arith.constant 0 : i32
    %c0_i32_0 = arith.constant 0 : i32
    %c0_i32_1 = arith.constant 0 : i32
    return %c0_i32, %c0_i32_0 : i32, i32
  }
}

</mosaic_0001>

<sc_bundles>
// kernel: kernel.10.cloned.1.call-start
scs
__scs_entry_jumppad:
0x0: {  	(pc) =	sbr.rel $0x88, $3  }
0x1: {  	(tag) =	ssettag $0x0;
	lr =	simm.s32 $0x1  }
0x2: {  	[smem:$0x3F7B] =	sst lr;
	_ =	strace $0xD0000000  }
0x3: {  	_ = 	snop  }
0x4: {  	_ = 	snop  }
0x5: {  	_ = 	snop  }
0x6: {  	_ = 	snop  }
0x7: {  	_ = 	snop  }
__scs_overlays_trampoline_lowered:
0x8: {  	[smem:$0x3F8A] =	sst s0  }
0x9: {  	[smem:$0x3F8B] =	sst s1  }
0xa: {  	[smem:$0x3F8C] =	sst s2  }
0xb: {  	[smem:$0x3F8D] =	sst s3  }
0xc: {  	[smem:$0x3F8E] =	sst s4  }
0xd: {  	[smem:$0x3F8F] =	sst s5  }
0xe: {  	[smem:$0x3F90] =	sst s6  }
0xf: {  	[smem:$0x3F91] =	sst s7  }
0x10: {  	[smem:$0x3F92] =	sst s8  }
0x11: {  	[smem:$0x3F93] =	sst s9;
	s0 =	simm.s32 @!p0 $0x0  }
0x12: {  	s1 =	sld [smem:$0x3F79];
	s0 =	simm.s32 @p0 $0x1  }
0x13: {  	[smem:$0x3F94] =	sst s0;
	s0 =	simm.s32 @!p1 $0x0  }
0x14: {  	s2 =	sld [smem:$0x3F78];
	s0 =	simm.s32 @p1 $0x1  }
0x15: {  	[smem:$0x3F95] =	sst s0;
	s0 =	simm.s32 @!p2 $0x0  }
0x16: {  	s3 =	sld [smem:$0x3FDB];
	s0 =	simm.s32 @p2 $0x1  }
0x17: {  	s4 =	simm.s32 $0x1BF5;
	[smem:$0x3F97] =	sst s0  }
0x18: {  	s0 =	sld [smem:$0x3F7A];
	_ =	swait.ge [sflag:s4], $0x0  }
0x19: {  	s7 =	sld [smem:$0x3F7B]  }
0x1a: {  	s8 =	sadd.s32 $0xFFFFE003, lr  }
0x1b: {  	s9 =	sadd.s32 $0xFFFFFEF7, lr;
	s5 =	simm.s32 $0xFFFFFFFF;
	p2 =	slt.u32 s8, $0xFFFFF086  }
0x1c: {  	p1 =	slt.u32 s9, $0xF7A;
	s5 =	simm.s32 @!p2 $0x0  }
0x1d: {  	s5 =	simm.s32 @p1 $0x1;
	p0 =	seq.s32 s7, s2  }
0x1e: {  	s7 =	smul.u32 @!p0 $0xF7A, s2;
	p2 =	seq.s32 @!p0 s5, $0x0  }
0x1f: {  	s9 =	smul.u32 $0xF7A, s1;
	s8 =	simm.s32 @!p0 $0x1BF5;
	p2 =	por !p2, p0  }
0x20: {  	[sflag:s8] =	ssyncset.s32 @!p0 $0xFFFFF086;
	s6 =	sadd.s32 @!p0 s3, s7;
	s7 =	simm.s32 @!p0 $0x108  }
0x21: {  	s3 =	sadd.s32 s3, s9;
	s6 =	sadd.s32 @!p0 $0x88, s6;
	s7 =	simm.s32 @p2 $0x1082  }
0x22: {  	[simem:s7], [sflag:s8] =	dma.local @!p0 [hbm:s6], $0xF7A  }
0x23: {  	s9 =	sor.u32 $0xD0000000, s2;
	s6 =	simm.s32 $0x108;
	_ =	swait.ge @!p0 [sflag:s8], $0x0  }
0x24: {  	s3 =	sadd.s32 $0x88, s3;
	s6 =	simm.s32 @!p1 $0x1082;
	[sflag:s4] =	ssyncset.s32 $0xFFFFF086  }
0x25: {  	[simem:s6], [sflag:s4] =	dma.local [hbm:s3], $0xF7A  }
0x26: {  	[smem:$0x3F7B] =	sst s1;
	(tag) =	ssettag s2;
	_ =	strace s9  }
0x27: {  	s1 =	sld [smem:$0x3F8B]  }
0x28: {  	s2 =	sld [smem:$0x3F8C]  }
0x29: {  	s4 =	sld [smem:$0x3F8E]  }
0x2a: {  	p0 =	seq.s32 s5, $0x0;
	s5 =	sld [smem:$0x3F8F]  }
0x2b: {  	s6 =	sld [smem:$0x3F90]  }
0x2c: {  	s7 =	sld [smem:$0x3F91]  }
0x2d: {  	s3 =	simm.s32 $0x108;
	s8 =	sld [smem:$0x3F92]  }
0x2e: {  	s3 =	simm.s32 @!p0 $0x1082;
	s9 =	sld [smem:$0x3F93]  }
0x2f: {  	lr =	sadd.s32 s0, s3;
	s0 =	sld [smem:$0x3F8A]  }
0x30: {  	s3 =	sld [smem:$0x3F8D]  }
0x31: {  	[smem:$0x3F96] =	sst s10  }
0x32: {  	s10 =	sld [smem:$0x3F94];
	_ =	sdelay $0x3  }
0x33: {  	p0 =	seq.s32 s10, $0x1;
	s10 =	sld [smem:$0x3F96];
	_ =	sdelay $0x3  }
0x34: {  	[smem:$0x3F96] =	sst s10  }
0x35: {  	s10 =	sld [smem:$0x3F95];
	_ =	sdelay $0x3  }
0x36: {  	p1 =	seq.s32 s10, $0x1;
	s10 =	sld [smem:$0x3F96];
	_ =	sdelay $0x3  }
0x37: {  	[smem:$0x3F96] =	sst s10  }
0x38: {  	s10 =	sld [smem:$0x3F97]  }
0x39: {  	_ = 	snop;
	(pc) =	sbr.ind lr, $3  }
0x3a: {  	_ = 	snop  }
0x3b: {  	_ = 	snop  }
0x3c: {  	p2 =	seq.s32 s10, $0x1;
	s10 =	sld [smem:$0x3F96]  }
0x3d: {  	_ =	shalt  }
0x3e: {  	_ =	shalt  }
0x3f: {  	_ =	shalt  }
0x40: {  	_ =	shalt  }
0x41: {  	_ =	shalt  }
0x42: {  	_ =	shalt  }
0x43: {  	_ =	shalt  }
0x44: {  	_ =	shalt  }
0x45: {  	_ =	shalt  }
0x46: {  	_ =	shalt  }
0x47: {  	_ =	shalt  }
0x48: {  	_ =	shalt  }
0x49: {  	_ =	shalt  }
0x4a: {  	_ =	shalt  }
0x4b: {  	_ =	shalt  }
0x4c: {  	_ =	shalt  }
0x4d: {  	_ =	shalt  }
0x4e: {  	_ =	shalt  }
0x4f: {  	_ =	shalt  }
0x50: {  	_ =	shalt  }
0x51: {  	_ =	shalt  }
0x52: {  	_ =	shalt  }
0x53: {  	_ =	shalt  }
0x54: {  	_ =	shalt  }
0x55: {  	_ =	shalt  }
0x56: {  	_ =	shalt  }
0x57: {  	_ =	shalt  }
0x58: {  	_ =	shalt  }
0x59: {  	_ =	shalt  }
0x5a: {  	_ =	shalt  }
0x5b: {  	_ =	shalt  }
0x5c: {  	_ =	shalt  }
0x5d: {  	_ =	shalt  }
0x5e: {  	_ =	shalt  }
0x5f: {  	_ =	shalt  }
0x60: {  	_ =	shalt  }
0x61: {  	_ =	shalt  }
0x62: {  	_ =	shalt  }
0x63: {  	_ =	shalt  }
0x64: {  	_ =	shalt  }
0x65: {  	_ =	shalt  }
0x66: {  	_ =	shalt  }
0x67: {  	_ =	shalt  }
0x68: {  	_ =	shalt  }
0x69: {  	_ =	shalt  }
0x6a: {  	_ =	shalt  }
0x6b: {  	_ =	shalt  }
0x6c: {  	_ =	shalt  }
0x6d: {  	_ =	shalt  }
0x6e: {  	_ =	shalt  }
0x6f: {  	_ =	shalt  }
0x70: {  	_ =	shalt  }
0x71: {  	_ =	shalt  }
0x72: {  	_ =	shalt  }
0x73: {  	_ =	shalt  }
0x74: {  	_ =	shalt  }
0x75: {  	_ =	shalt  }
0x76: {  	_ =	shalt  }
0x77: {  	_ =	shalt  }
0x78: {  	_ =	shalt  }
0x79: {  	_ =	shalt  }
0x7a: {  	_ =	shalt  }
0x7b: {  	_ =	shalt  }
0x7c: {  	_ =	shalt  }
0x7d: {  	_ =	shalt  }
0x7e: {  	_ =	shalt  }
0x7f: {  	_ =	shalt  }
0x80: {  	_ =	shalt  }
0x81: {  	_ =	shalt  }
0x82: {  	_ =	shalt  }
0x83: {  	_ =	shalt  }
0x84: {  	_ =	shalt  }
0x85: {  	_ =	shalt  }
0x86: {  	_ =	shalt  }
0x87: {  	_ =	shalt  }
.Lfunc_end0:
.L_simem_size_0:
called_computation_lowered:
.L_overlay_start_0:
0x88: {  	s2 =	sld [smem:$0x3FD9]  }
0x89: {  	s3 =	sld [smem:$0x3FFE];
	_ =	sdelay $0x1  }
0x8a: {  	s1 =	srdreg.scid  }
0x8b: {  	s0 =	sand.u32 $0x1, s1  }
0x8c: {  	s16 =	sshll.u32 s0, $0xA;
	s2 =	sadd.s32 s3, s2  }
0x8d: {  	s2 =	sadd.s32 s2, s16  }
0x8e: {  	[smem:$0x3FA2] =	sst s2  }
0x8f: {  	_ = 	snop  }
0x90: {  	(tm) =	ssettm $0x1  }
0x91: {  	s17 =	sld [smem:$0x3FFB];
	_ =	sdelay $0x3  }
0x92: {  	_ =	strace s17  }
0x93: {  	s2 =	sld [smem:$0x3FFC];
	_ =	sdelay $0x3  }
0x94: {  	_ =	strace s2  }
0x95: {  	s2 =	sld [smem:$0x3FFD];
	_ =	sdelay $0x3  }
0x96: {  	_ =	strace s2  }
0x97: {  	_ =	strace $0x8FFFFFFF  }
0x98: {  	s18 =	sld [smem:$0x3FDB];
	_ =	sdelay $0x1  }
0x99: {  	s19 =	simm.s32 $_scs_section_size  }
0x9a: {  	s4 =	simm.s32 $_size__tile_overlayer_lowered;
	s5 =	simm.s32 $_tile_overlayer_lowered  }
0x9b: {  	s22 =	simm.s32 $0x1BFF;
	s21 =	sshll.u32 s5, $0x1;
	s2 =	sadd.s32 s19, s18  }
0x9c: {  	s6 =	simm.s32 $0x0;
	s20 =	sshll.u32 s4, $0x1;
	s4 =	sadd.s32 s21, s2  }
0x9d: {  	[timem:s6], [sflag:s22] =	dma.local [hbm:s4], s20  }
0x9e: {  	_ =	swait.ge [sflag:s22], s20  }
0x9f: {  	s3 =	ssub.s32 $0x0, s20;
	[sflag:s22] =	ssyncset.done $0x0  }
0xa0: {  	[sflag:s22] =	ssyncadd.s32 s3;
	_ =	sdelay $0x1  }
0xa1: {  	s23 =	simm.s32 $0x1B8B  }
0xa2: {  	_ =	swait.ge [sflag:s23], $0x1  }
0xa3: {  	[sflag:s23] =	ssyncset.done $0x0  }
0xa4: {  	s25 =	simm.s32 $0x1B8E;
	s24 =	sld [smem:$0x3FFE];
	[sflag:s23] =	ssyncadd.s32 $0xFFFFFFFF  }
0xa5: {  	s26 =	simm.s32 $execute0_lowered;
	[smem:$0x3FD2] =	sst s25  }
0xa6: {  	s4 =	sshll.u32 s26, $0x1;
	_ =	strace $0x80000046;
	[dreg:$0x1] =	wrdreg $0xFFFFFFFF  }
0xa7: {  	s28 =	simm.s32 $_size_execute0_lowered;
	s2 =	sadd.s32 s2, s4;
	[dreg:$0x0] =	wrdreg $0x0  }
0xa8: {  	s4 =	sshll.u32 s28, $0x1;
	[dreg:$0x2] =	wrdreg s2  }
0xa9: {  	[dreg:$0x3] =	wrdreg s4  }
0xaa: {  	[dreg:$0x4] =	wrdreg $0xC0  }
0xab: {  	_ =	task [dreg:s6], $0x5FFFF  }
0xac: {  	[dreg:$0x1] =	wrdreg $0xFFFFFFFF  }
0xad: {  	[dreg:$0x0] =	wrdreg $0x60  }
0xae: {  	[dreg:$0x2] =	wrdreg s24  }
0xaf: {  	[dreg:$0x3] =	wrdreg $0x41000  }
0xb0: {  	[dreg:$0x4] =	wrdreg $0x9  }
0xb1: {  	_ =	task.clear_ibuf [dreg:s6], $0x5FFFF;
	_ =	strace $0x90000046  }
0xb2: {  	s29 =	simm.s32 $0x9;
	_ =	strace $0x80000048  }
0xb3: {  	_ =	swait.ge [sflag:s29], $0x1  }
0xb4: {  	[sflag:s29] =	ssyncadd.s32 $0xFFFFFFFF  }
0xb5: {  	_ =	strace $0x90000048  }
0xb6: {  	_ =	sfence  }
0xb7: {  	s30 =	sld [smem:$0x0];
	_ =	sdelay $0x2  }
0xb8: {  	s31 =	sshll.u32 s1, $0xD;
	s1 =	sshrl.u32 s1, $0x2  }
0xb9: {  	s3 =	sand.u32 $0x4000, s31;
	s1 =	sadd.s32 s1, s30  }
0xba: {  	s0 =	sor.u32 s3, s0;
	s1 =	sshll.u32 s1, $0x11  }
0xbb: {  	s0 =	sor.u32 s1, s0  }
0xbc: {  	s0 =	sadd.s32 $0x8F2B, s0  }
0xbd: {  	[sflag:s0] =	ssyncadd.remote.s32 $0x1  }
0xbe: {  	_ =	sfence.sel $0xFFFF  }
0xbf: {  	[dreg:$0x0] =	wrdreg $0xFFFFFFFF;
	(pc) =	sbr.abs _section_cstart, $3  }
0xc0: {  	[dreg:$0x1] =	wrdreg $0xFFFFFFFF  }
0xc1: {  	_ =	task.clear_ibuf [dreg:s6], $0x2FFFF;
	_ =	strace $0x9FFFFFFF  }
0xc2: {  	(tm) =	ssettm $0x7FFFFFFF  }
0xc3: {  	_ =	shalt  }
tec
execute0_lowered:
.L_overlay_start_1:
0x0: {  	(tag) =	ssettag $0x1  }
0x1: {  	s7 =	rddreg [dreg:$0x0]  }
0x2: {  	s0 =	srdreg.scid;
	s2 =	rddreg [dreg:$0x1]  }
0x3: {  	s3 =	simm.s32 $0x73;
	s1 =	stileid.u32;
	s4 =	simm.s32 $0x0  }
0x4: {  	s16 =	simm.s32 $0x2;
	s17 =	simm.s32 $0x80;
	s18 =	simm.s32 $0x1  }
0x5: {  	s21 =	simm.s32 $0x0;
	s9 =	sand.u32 $0x1, s0;
	s0 =	rddreg [dreg:$0x2]  }
0x6: {  	[smem:$0x7FF] =	sst s4;
	s10 =	smul.u32 $0x13C00, s1;
	s5 =	sadd.s32 $0x1BC00, s7  }
0x7: {  	s11 =	smul.u32 $0x4F000, s1;
	s19 =	sshll.u32 s1, $0x6;
	p0 =	seq.s32 s9, $0x0  }
0x8: {  	s8 =	smul.u32 $0x13C000, s9;
	_ =	strace $0x80000047;
	s30 =	ssub.s32 $0x2, s9  }
0x9: {  	s15 =	smul.u32 $0xE600, s9;
	s19 =	sor.u32 $0x1C02, s19;
	s3 =	simm.s32 @!p0 $0x2B  }
0xa: {  	s31 =	sshrl.u32 s30, $0x1;
	s6 =	smul.u32 s1, s3;
	s8 =	sadd.s32 s10, s8  }
0xb: {  	s11 =	sshrl.u32 s11, $0x2;
	s13 =	ssub.s32 s30, s31;
	s8 =	sshrl.u32 s8, $0x3  }
0xc: {  	s13 =	smax.u32 s13, $0x1;
	s6 =	sshll.u32 s6, $0x5;
	s12 =	sadd.s32 s8, s7  }
0xd: {  	s14 =	sadd.s32 s6, s7;
	s6 =	sadd.s32 $0x42E00, s7;
	s7 =	sadd.s32 s11, s2  }
0xe: {  	s12 =	sadd.s32 $0x43600, s12;
	s8 =	sadd.s32 $0x4000, s7;
	s9 =	sadd.s32 $0x8000, s7  }
0xf: {  	s10 =	sadd.s32 $0xC000, s7;
	s11 =	sadd.s32 $0x10000, s7;
	s14 =	sadd.s32 s15, s14  }
0x10: {  	s15 =	simm.s32 $0x100;
	s20 =	sshrl.u32 s7, $0x3;
	s14 =	sadd.s32 $0x8000, s14  }
.LBB2_1:
0x11: {  	[tilespmem:s15], [sflag:$0x2] =	stream.linear.gather [hbm4b:s6+s4], $0x4000, $0x38;
	[tilespmem:$0x17D00] =	vst v63  }
0x12: {  	_ =	swait.ge [sflag:s16], $0x4000  }
0x13: {  	[sflag:s16] =	ssyncset.done $0x0  }
0x14: {  	[sflag:s16] =	ssyncadd.s32 $0xFFFFC000  }
0x15: {  	[spmem:s7] =	stream.linear.scatter [tilespmem:s15], [sflag:$0x2], $0x4000, $0x38;
	[tilespmem:$0x17D00] =	vst v63  }
0x16: {  	_ =	swait.ge [sflag:s16], $0x4000  }
0x17: {  	[sflag:s16] =	ssyncset.done $0x0  }
0x18: {  	[sflag:s16] =	ssyncadd.s32 $0xFFFFC000  }
0x19: {  	[spmem:s8] =	stream.linear.scatter [tilespmem:s15], [sflag:$0x2], $0x4000, $0x38;
	[tilespmem:$0x17D00] =	vst v63  }
0x1a: {  	_ =	swait.ge [sflag:s16], $0x4000  }
0x1b: {  	[sflag:s16] =	ssyncset.done $0x0  }
0x1c: {  	[sflag:s16] =	ssyncadd.s32 $0xFFFFC000  }
0x1d: {  	[spmem:s9] =	stream.linear.scatter [tilespmem:s15], [sflag:$0x2], $0x4000, $0x38;
	[tilespmem:$0x17D00] =	vst v63  }
0x1e: {  	_ =	swait.ge [sflag:s16], $0x4000  }
0x1f: {  	[sflag:s16] =	ssyncset.done $0x0  }
0x20: {  	[sflag:s16] =	ssyncadd.s32 $0xFFFFC000  }
0x21: {  	[spmem:s10] =	stream.linear.scatter [tilespmem:s15], [sflag:$0x2], $0x4000, $0x38;
	[tilespmem:$0x17D00] =	vst v63  }
0x22: {  	_ =	swait.ge [sflag:s16], $0x4000  }
0x23: {  	[sflag:s16] =	ssyncset.done $0x0  }
0x24: {  	[sflag:s16] =	ssyncadd.s32 $0xFFFFC000  }
0x25: {  	[spmem:s11] =	stream.linear.scatter [tilespmem:s15], [sflag:$0x2], $0x3C00, $0x38;
	[tilespmem:$0x17D00] =	vst v63  }
0x26: {  	_ =	swait.ge [sflag:s16], $0x3C00  }
0x27: {  	[sflag:s16] =	ssyncset.done $0x0  }
0x28: {  	[sflag:s16] =	ssyncadd.s32 $0xFFFFC400  }
0x29: {  	[bflag:$0x0] =	sbarrier.arrive $0xFFFF  }
0x2a: {  	[tilespmem:s4], [sflag:$0x2] =	stream.linear.gather [hbm4b:s14+s4], $0x100, $0x38;
	[tilespmem:$0x17D00] =	vst v63  }
0x2b: {  	_ =	swait.ge [sflag:s16], $0x100  }
0x2c: {  	[sflag:s16] =	ssyncset.done $0x0  }
0x2d: {  	[sflag:s16] =	ssyncadd.s32 $0xFFFFFF00  }
0x2e: {  	[tilespmem:s15], [sflag:$0x1] =	stream.indirect.gather [hbm4b:s5+s17], $0x80, s4, s17, $0xb8;
	[tilespmem:$0x17D00] =	vst v63  }
0x2f: {  	p0 =	sne.s32 s3, $0x1;
	_ =	swait.ge [sflag:s18], $0x4000  }
.Ltmp0:
0x30: {  	[sflag:s18] =	ssyncset.done $0x0;
	(pc) =	sbr.rel @!p0 .LBB2_3-.Ltmp0, $4  }
0x31: {  	[sflag:s18] =	ssyncadd.s32 $0xFFFFC000  }
0x32: {  	[spmem:s2] =	stream.indirect.scatter.add.f32 [tilespmem:s15], [sflag:$0x2], $0x80, s17, s17, $0xb8;
	[tilespmem:$0x17D00] =	vst v63  }
0x33: {  	_ =	swait.ge [sflag:s16], $0x4000  }
0x34: {  	s22 =	sadd.s32 $0xFFFFFFFF, s3;
	s23 =	smov.u32 s14;
	[sflag:s16] =	ssyncset.done $0x0  }
.LBB2_2:
0x35: {  	p0 =	sne.s32 s22, $0x1;
	[sflag:s16] =	ssyncadd.s32 $0xFFFFC000;
	s23 =	sadd.s32 $0x20, s23  }
0x36: {  	[tilespmem:s4], [sflag:$0x2] =	stream.linear.gather [hbm4b:s23+s4], $0x100, $0x38;
	[tilespmem:$0x17D00] =	vst v63  }
0x37: {  	s22 =	sadd.s32 $0xFFFFFFFF, s22;
	_ =	swait.ge [sflag:s16], $0x100  }
0x38: {  	[sflag:s16] =	ssyncset.done $0x0  }
0x39: {  	[sflag:s16] =	ssyncadd.s32 $0xFFFFFF00  }
0x3a: {  	[tilespmem:s15], [sflag:$0x1] =	stream.indirect.gather [hbm4b:s5+s17], $0x80, s4, s17, $0xb8;
	[tilespmem:$0x17D00] =	vst v63  }
0x3b: {  	_ =	swait.ge [sflag:s18], $0x4000  }
.Ltmp1:
0x3c: {  	[sflag:s18] =	ssyncset.done $0x0;
	(pc) =	sbr.rel @p0 .LBB2_2-.Ltmp1, $4  }
0x3d: {  	[sflag:s18] =	ssyncadd.s32 $0xFFFFC000  }
0x3e: {  	[spmem:s2] =	stream.indirect.scatter.add.f32 [tilespmem:s15], [sflag:$0x2], $0x80, s17, s17, $0xb8;
	[tilespmem:$0x17D00] =	vst v63  }
0x3f: {  	_ =	swait.ge [sflag:s16], $0x4000  }
0x40: {  	[sflag:s16] =	ssyncset.done $0x0  }
.LBB2_3:
0x41: {  	s21 =	sadd.s32 $0x1, s21  }
0x42: {  	[sflag:s16] =	ssyncadd.s32 $0xFFFFC000;
	p0 =	sne.s32 s21, s13  }
.Ltmp2:
0x43: {  	[bflag:$0x0] =	sbarrier.arrive $0xFFFF;
	(pc) =	sbr.rel @p0 .LBB2_1-.Ltmp2, $4  }
0x44: {  	[hbm:s12], [sflag:s19] =	dma.local [spmem:s20], $0x2780  }
0x45: {  	_ =	swait.ge [sflag:s16], $0x2780  }
0x46: {  	[sflag:s16] =	ssyncset.done $0x0  }
0x47: {  	[sflag:s16] =	ssyncadd.s32 $0xFFFFD880  }
0x48: {  	_ =	sfence.sel $0x180000  }
0x49: {  	[bflag:$0x0] =	sbarrier.arrive $0xFFFF  }
0x4a: {  	p0 =	sne.s32 s1, $0x0;
	_ =	strace $0x90000047  }
0x4b: {  	s0 =	sadd.s32 @!p0 $0x100000, s0;
	[bflag:$0x2] =	sbarrier.arrive $0xFFFF  }
0x4c: {  	[sflag:s0] =	ssyncadd.tile.s32 @!p0 $0x1;
	_ =	shalt  }
.Lfunc_end2:
_tile_overlayer_lowered:
.L_overlay_start_2:
0x4d: {  	(tag) =	ssettag $0x2  }
0x4e: {  	s0 =	rddreg [dreg:$0x0];
	s2 =	stileid.u32  }
0x4f: {  	s1 =	rddreg [dreg:$0x1];
	p0 =	sne.s32 s2, $0x0  }
0x50: {  	s3 =	rddreg [dreg:$0x2];
	[bflag:$0x3] =	sbarrier.arrive $0xFFFF;
	s2 =	simm.s32 @!p0 $0x1C02  }
0x51: {  	[timem:s3], [sflag:s2] =	dma.local @!p0 [hbm:s0], s1  }
0x52: {  	s0 =	simm.s32 @!p0 $0x2  }
0x53: {  	_ =	swait.ge @!p0 [sflag:s0], s1  }
0x54: {  	s1 =	ssub.s32 @!p0 $0x0, s1;
	[sflag:s0] =	ssyncset.done @!p0 $0x0  }
0x55: {  	[sflag:s0] =	ssyncadd.s32 @!p0 s1  }
0x56: {  	[bflag:$0x3] =	sbarrier.arrive $0xFFFF  }
0x57: {  	_ =	shalt  }

// kernel: kernel.13.cloned.1.call-start
scs
__scs_entry_jumppad:
0x0: {  	(pc) =	sbr.rel $0x88, $3  }
0x1: {  	(tag) =	ssettag $0x0;
	lr =	simm.s32 $0x1  }
0x2: {  	[smem:$0x3F7B] =	sst lr;
	_ =	strace $0xD0000000  }
0x3: {  	_ = 	snop  }
0x4: {  	_ = 	snop  }
0x5: {  	_ = 	snop  }
0x6: {  	_ = 	snop  }
0x7: {  	_ = 	snop  }
__scs_overlays_trampoline_lowered:
0x8: {  	[smem:$0x3F8A] =	sst s0  }
0x9: {  	[smem:$0x3F8B] =	sst s1  }
0xa: {  	[smem:$0x3F8C] =	sst s2  }
0xb: {  	[smem:$0x3F8D] =	sst s3  }
0xc: {  	[smem:$0x3F8E] =	sst s4  }
0xd: {  	[smem:$0x3F8F] =	sst s5  }
0xe: {  	[smem:$0x3F90] =	sst s6  }
0xf: {  	[smem:$0x3F91] =	sst s7  }
0x10: {  	[smem:$0x3F92] =	sst s8  }
0x11: {  	[smem:$0x3F93] =	sst s9;
	s0 =	simm.s32 @!p0 $0x0  }
0x12: {  	s1 =	sld [smem:$0x3F79];
	s0 =	simm.s32 @p0 $0x1  }
0x13: {  	[smem:$0x3F94] =	sst s0;
	s0 =	simm.s32 @!p1 $0x0  }
0x14: {  	s2 =	sld [smem:$0x3F78];
	s0 =	simm.s32 @p1 $0x1  }
0x15: {  	[smem:$0x3F95] =	sst s0;
	s0 =	simm.s32 @!p2 $0x0  }
0x16: {  	s3 =	sld [smem:$0x3FDB];
	s0 =	simm.s32 @p2 $0x1  }
0x17: {  	s4 =	simm.s32 $0x1BF5;
	[smem:$0x3F97] =	sst s0  }
0x18: {  	s0 =	sld [smem:$0x3F7A];
	_ =	swait.ge [sflag:s4], $0x0  }
0x19: {  	s7 =	sld [smem:$0x3F7B]  }
0x1a: {  	s8 =	sadd.s32 $0xFFFFE003, lr  }
0x1b: {  	s9 =	sadd.s32 $0xFFFFFEF7, lr;
	s5 =	simm.s32 $0xFFFFFFFF;
	p2 =	slt.u32 s8, $0xFFFFF086  }
0x1c: {  	p1 =	slt.u32 s9, $0xF7A;
	s5 =	simm.s32 @!p2 $0x0  }
0x1d: {  	s5 =	simm.s32 @p1 $0x1;
	p0 =	seq.s32 s7, s2  }
0x1e: {  	s7 =	smul.u32 @!p0 $0xF7A, s2;
	p2 =	seq.s32 @!p0 s5, $0x0  }
0x1f: {  	s9 =	smul.u32 $0xF7A, s1;
	s8 =	simm.s32 @!p0 $0x1BF5;
	p2 =	por !p2, p0  }
0x20: {  	[sflag:s8] =	ssyncset.s32 @!p0 $0xFFFFF086;
	s6 =	sadd.s32 @!p0 s3, s7;
	s7 =	simm.s32 @!p0 $0x108  }
0x21: {  	s3 =	sadd.s32 s3, s9;
	s6 =	sadd.s32 @!p0 $0x88, s6;
	s7 =	simm.s32 @p2 $0x1082  }
0x22: {  	[simem:s7], [sflag:s8] =	dma.local @!p0 [hbm:s6], $0xF7A  }
0x23: {  	s9 =	sor.u32 $0xD0000000, s2;
	s6 =	simm.s32 $0x108;
	_ =	swait.ge @!p0 [sflag:s8], $0x0  }
0x24: {  	s3 =	sadd.s32 $0x88, s3;
	s6 =	simm.s32 @!p1 $0x1082;
	[sflag:s4] =	ssyncset.s32 $0xFFFFF086  }
0x25: {  	[simem:s6], [sflag:s4] =	dma.local [hbm:s3], $0xF7A  }
0x26: {  	[smem:$0x3F7B] =	sst s1;
	(tag) =	ssettag s2;
	_ =	strace s9  }
0x27: {  	s1 =	sld [smem:$0x3F8B]  }
0x28: {  	s2 =	sld [smem:$0x3F8C]  }
0x29: {  	s4 =	sld [smem:$0x3F8E]  }
0x2a: {  	p0 =	seq.s32 s5, $0x0;
	s5 =	sld [smem:$0x3F8F]  }
0x2b: {  	s6 =	sld [smem:$0x3F90]  }
0x2c: {  	s7 =	sld [smem:$0x3F91]  }
0x2d: {  	s3 =	simm.s32 $0x108;
	s8 =	sld [smem:$0x3F92]  }
0x2e: {  	s3 =	simm.s32 @!p0 $0x1082;
	s9 =	sld [smem:$0x3F93]  }
0x2f: {  	lr =	sadd.s32 s0, s3;
	s0 =	sld [smem:$0x3F8A]  }
0x30: {  	s3 =	sld [smem:$0x3F8D]  }
0x31: {  	[smem:$0x3F96] =	sst s10  }
0x32: {  	s10 =	sld [smem:$0x3F94];
	_ =	sdelay $0x3  }
0x33: {  	p0 =	seq.s32 s10, $0x1;
	s10 =	sld [smem:$0x3F96];
	_ =	sdelay $0x3  }
0x34: {  	[smem:$0x3F96] =	sst s10  }
0x35: {  	s10 =	sld [smem:$0x3F95];
	_ =	sdelay $0x3  }
0x36: {  	p1 =	seq.s32 s10, $0x1;
	s10 =	sld [smem:$0x3F96];
	_ =	sdelay $0x3  }
0x37: {  	[smem:$0x3F96] =	sst s10  }
0x38: {  	s10 =	sld [smem:$0x3F97]  }
0x39: {  	_ = 	snop;
	(pc) =	sbr.ind lr, $3  }
0x3a: {  	_ = 	snop  }
0x3b: {  	_ = 	snop  }
0x3c: {  	p2 =	seq.s32 s10, $0x1;
	s10 =	sld [smem:$0x3F96]  }
0x3d: {  	_ =	shalt  }
0x3e: {  	_ =	shalt  }
0x3f: {  	_ =	shalt  }
0x40: {  	_ =	shalt  }
0x41: {  	_ =	shalt  }
0x42: {  	_ =	shalt  }
0x43: {  	_ =	shalt  }
0x44: {  	_ =	shalt  }
0x45: {  	_ =	shalt  }
0x46: {  	_ =	shalt  }
0x47: {  	_ =	shalt  }
0x48: {  	_ =	shalt  }
0x49: {  	_ =	shalt  }
0x4a: {  	_ =	shalt  }
0x4b: {  	_ =	shalt  }
0x4c: {  	_ =	shalt  }
0x4d: {  	_ =	shalt  }
0x4e: {  	_ =	shalt  }
0x4f: {  	_ =	shalt  }
0x50: {  	_ =	shalt  }
0x51: {  	_ =	shalt  }
0x52: {  	_ =	shalt  }
0x53: {  	_ =	shalt  }
0x54: {  	_ =	shalt  }
0x55: {  	_ =	shalt  }
0x56: {  	_ =	shalt  }
0x57: {  	_ =	shalt  }
0x58: {  	_ =	shalt  }
0x59: {  	_ =	shalt  }
0x5a: {  	_ =	shalt  }
0x5b: {  	_ =	shalt  }
0x5c: {  	_ =	shalt  }
0x5d: {  	_ =	shalt  }
0x5e: {  	_ =	shalt  }
0x5f: {  	_ =	shalt  }
0x60: {  	_ =	shalt  }
0x61: {  	_ =	shalt  }
0x62: {  	_ =	shalt  }
0x63: {  	_ =	shalt  }
0x64: {  	_ =	shalt  }
0x65: {  	_ =	shalt  }
0x66: {  	_ =	shalt  }
0x67: {  	_ =	shalt  }
0x68: {  	_ =	shalt  }
0x69: {  	_ =	shalt  }
0x6a: {  	_ =	shalt  }
0x6b: {  	_ =	shalt  }
0x6c: {  	_ =	shalt  }
0x6d: {  	_ =	shalt  }
0x6e: {  	_ =	shalt  }
0x6f: {  	_ =	shalt  }
0x70: {  	_ =	shalt  }
0x71: {  	_ =	shalt  }
0x72: {  	_ =	shalt  }
0x73: {  	_ =	shalt  }
0x74: {  	_ =	shalt  }
0x75: {  	_ =	shalt  }
0x76: {  	_ =	shalt  }
0x77: {  	_ =	shalt  }
0x78: {  	_ =	shalt  }
0x79: {  	_ =	shalt  }
0x7a: {  	_ =	shalt  }
0x7b: {  	_ =	shalt  }
0x7c: {  	_ =	shalt  }
0x7d: {  	_ =	shalt  }
0x7e: {  	_ =	shalt  }
0x7f: {  	_ =	shalt  }
0x80: {  	_ =	shalt  }
0x81: {  	_ =	shalt  }
0x82: {  	_ =	shalt  }
0x83: {  	_ =	shalt  }
0x84: {  	_ =	shalt  }
0x85: {  	_ =	shalt  }
0x86: {  	_ =	shalt  }
0x87: {  	_ =	shalt  }
.Lfunc_end0:
.L_simem_size_0:
called_computation.1_lowered:
.L_overlay_start_0:
0x88: {  	s2 =	sld [smem:$0x3FD9]  }
0x89: {  	s3 =	sld [smem:$0x3FFE];
	_ =	sdelay $0x1  }
0x8a: {  	s1 =	srdreg.scid  }
0x8b: {  	s0 =	sand.u32 $0x1, s1  }
0x8c: {  	s16 =	sshll.u32 s0, $0xA;
	s2 =	sadd.s32 s3, s2  }
0x8d: {  	s2 =	sadd.s32 s2, s16  }
0x8e: {  	[smem:$0x3FA2] =	sst s2  }
0x8f: {  	_ = 	snop  }
0x90: {  	(tm) =	ssettm $0x1  }
0x91: {  	s17 =	sld [smem:$0x3FFB];
	_ =	sdelay $0x3  }
0x92: {  	_ =	strace s17  }
0x93: {  	s2 =	sld [smem:$0x3FFC];
	_ =	sdelay $0x3  }
0x94: {  	_ =	strace s2  }
0x95: {  	s2 =	sld [smem:$0x3FFD];
	_ =	sdelay $0x3  }
0x96: {  	_ =	strace s2  }
0x97: {  	_ =	strace $0x8FFFFFFF  }
0x98: {  	s18 =	sld [smem:$0x3FDB];
	_ =	sdelay $0x1  }
0x99: {  	s19 =	simm.s32 $_scs_section_size  }
0x9a: {  	s4 =	simm.s32 $_size__tile_overlayer_lowered;
	s5 =	simm.s32 $_tile_overlayer_lowered  }
0x9b: {  	s22 =	simm.s32 $0x1BFF;
	s21 =	sshll.u32 s5, $0x1;
	s2 =	sadd.s32 s19, s18  }
0x9c: {  	s6 =	simm.s32 $0x0;
	s20 =	sshll.u32 s4, $0x1;
	s4 =	sadd.s32 s21, s2  }
0x9d: {  	[timem:s6], [sflag:s22] =	dma.local [hbm:s4], s20  }
0x9e: {  	_ =	swait.ge [sflag:s22], s20  }
0x9f: {  	s3 =	ssub.s32 $0x0, s20;
	[sflag:s22] =	ssyncset.done $0x0  }
0xa0: {  	[sflag:s22] =	ssyncadd.s32 s3;
	_ =	sdelay $0x1  }
0xa1: {  	s23 =	simm.s32 $0x1B8B  }
0xa2: {  	_ =	swait.ge [sflag:s23], $0x1  }
0xa3: {  	[sflag:s23] =	ssyncset.done $0x0  }
0xa4: {  	s25 =	simm.s32 $0x1B8E;
	s24 =	sld [smem:$0x3FFE];
	[sflag:s23] =	ssyncadd.s32 $0xFFFFFFFF  }
0xa5: {  	s26 =	simm.s32 $execute0_lowered;
	[smem:$0x3FD2] =	sst s25  }
0xa6: {  	s4 =	sshll.u32 s26, $0x1;
	_ =	strace $0x80000049;
	[dreg:$0x1] =	wrdreg $0xFFFFFFFF  }
0xa7: {  	s28 =	simm.s32 $_size_execute0_lowered;
	s2 =	sadd.s32 s2, s4;
	[dreg:$0x0] =	wrdreg $0x0  }
0xa8: {  	s4 =	sshll.u32 s28, $0x1;
	[dreg:$0x2] =	wrdreg s2  }
0xa9: {  	[dreg:$0x3] =	wrdreg s4  }
0xaa: {  	[dreg:$0x4] =	wrdreg $0xC0  }
0xab: {  	_ =	task [dreg:s6], $0x5FFFF  }
0xac: {  	[dreg:$0x1] =	wrdreg $0xFFFFFFFF  }
0xad: {  	[dreg:$0x0] =	wrdreg $0x60  }
0xae: {  	[dreg:$0x2] =	wrdreg s24  }
0xaf: {  	[dreg:$0x3] =	wrdreg $0x41000  }
0xb0: {  	[dreg:$0x4] =	wrdreg $0x9  }
0xb1: {  	_ =	task.clear_ibuf [dreg:s6], $0x5FFFF;
	_ =	strace $0x90000049  }
0xb2: {  	s29 =	simm.s32 $0x9;
	_ =	strace $0x8000004B  }
0xb3: {  	_ =	swait.ge [sflag:s29], $0x1  }
0xb4: {  	[sflag:s29] =	ssyncadd.s32 $0xFFFFFFFF  }
0xb5: {  	_ =	strace $0x9000004B  }
0xb6: {  	_ =	sfence  }
0xb7: {  	s30 =	sld [smem:$0x0];
	_ =	sdelay $0x2  }
0xb8: {  	s31 =	sshll.u32 s1, $0xD;
	s1 =	sshrl.u32 s1, $0x2  }
0xb9: {  	s3 =	sand.u32 $0x4000, s31;
	s1 =	sadd.s32 s1, s30  }
0xba: {  	s0 =	sor.u32 s3, s0;
	s1 =	sshll.u32 s1, $0x11  }
0xbb: {  	s0 =	sor.u32 s1, s0  }
0xbc: {  	s0 =	sadd.s32 $0x8F2B, s0  }
0xbd: {  	[sflag:s0] =	ssyncadd.remote.s32 $0x1  }
0xbe: {  	_ =	sfence.sel $0xFFFF  }
0xbf: {  	[dreg:$0x0] =	wrdreg $0xFFFFFFFF;
	(pc) =	sbr.abs _section_cstart, $3  }
0xc0: {  	[dreg:$0x1] =	wrdreg $0xFFFFFFFF  }
0xc1: {  	_ =	task.clear_ibuf [dreg:s6], $0x2FFFF;
	_ =	strace $0x9FFFFFFF  }
0xc2: {  	(tm) =	ssettm $0x7FFFFFFF  }
0xc3: {  	_ =	shalt  }
tec
execute0_lowered:
.L_overlay_start_1:
0x0: {  	(tag) =	ssettag $0x1  }
0x1: {  	s7 =	rddreg [dreg:$0x0]  }
0x2: {  	s0 =	srdreg.scid;
	s2 =	rddreg [dreg:$0x1]  }
0x3: {  	s3 =	simm.s32 $0x73;
	s1 =	stileid.u32;
	s4 =	simm.s32 $0x0  }
0x4: {  	s16 =	simm.s32 $0x2;
	s17 =	simm.s32 $0x80;
	s18 =	simm.s32 $0x1  }
0x5: {  	s21 =	simm.s32 $0x0;
	s9 =	sand.u32 $0x1, s0;
	s0 =	rddreg [dreg:$0x2]  }
0x6: {  	[smem:$0x7FF] =	sst s4;
	s10 =	smul.u32 $0x13C00, s1;
	s5 =	sadd.s32 $0x1BC00, s7  }
0x7: {  	s11 =	smul.u32 $0x4F000, s1;
	s19 =	sshll.u32 s1, $0x6;
	p0 =	seq.s32 s9, $0x0  }
0x8: {  	s8 =	smul.u32 $0x13C000, s9;
	_ =	strace $0x8000004A;
	s30 =	ssub.s32 $0x2, s9  }
0x9: {  	s15 =	smul.u32 $0xE600, s9;
	s19 =	sor.u32 $0x1C02, s19;
	s3 =	simm.s32 @!p0 $0x2B  }
0xa: {  	s31 =	sshrl.u32 s30, $0x1;
	s6 =	smul.u32 s1, s3;
	s8 =	sadd.s32 s10, s8  }
0xb: {  	s11 =	sshrl.u32 s11, $0x2;
	s13 =	ssub.s32 s30, s31;
	s8 =	sshrl.u32 s8, $0x3  }
0xc: {  	s13 =	smax.u32 s13, $0x1;
	s6 =	sshll.u32 s6, $0x5;
	s12 =	sadd.s32 s8, s7  }
0xd: {  	s14 =	sadd.s32 s6, s7;
	s6 =	sadd.s32 $0x42E00, s7;
	s7 =	sadd.s32 s11, s2  }
0xe: {  	s12 =	sadd.s32 $0x43600, s12;
	s8 =	sadd.s32 $0x4000, s7;
	s9 =	sadd.s32 $0x8000, s7  }
0xf: {  	s10 =	sadd.s32 $0xC000, s7;
	s11 =	sadd.s32 $0x10000, s7;
	s14 =	sadd.s32 s15, s14  }
0x10: {  	s15 =	simm.s32 $0x100;
	s20 =	sshrl.u32 s7, $0x3;
	s14 =	sadd.s32 $0x8000, s14  }
.LBB2_1:
0x11: {  	[tilespmem:s15], [sflag:$0x2] =	stream.linear.gather [hbm4b:s6+s4], $0x4000, $0x38;
	[tilespmem:$0x17D00] =	vst v63  }
0x12: {  	_ =	swait.ge [sflag:s16], $0x4000  }
0x13: {  	[sflag:s16] =	ssyncset.done $0x0  }
0x14: {  	[sflag:s16] =	ssyncadd.s32 $0xFFFFC000  }
0x15: {  	[spmem:s7] =	stream.linear.scatter [tilespmem:s15], [sflag:$0x2], $0x4000, $0x38;
	[tilespmem:$0x17D00] =	vst v63  }
0x16: {  	_ =	swait.ge [sflag:s16], $0x4000  }
0x17: {  	[sflag:s16] =	ssyncset.done $0x0  }
0x18: {  	[sflag:s16] =	ssyncadd.s32 $0xFFFFC000  }
0x19: {  	[spmem:s8] =	stream.linear.scatter [tilespmem:s15], [sflag:$0x2], $0x4000, $0x38;
	[tilespmem:$0x17D00] =	vst v63  }
0x1a: {  	_ =	swait.ge [sflag:s16], $0x4000  }
0x1b: {  	[sflag:s16] =	ssyncset.done $0x0  }
0x1c: {  	[sflag:s16] =	ssyncadd.s32 $0xFFFFC000  }
0x1d: {  	[spmem:s9] =	stream.linear.scatter [tilespmem:s15], [sflag:$0x2], $0x4000, $0x38;
	[tilespmem:$0x17D00] =	vst v63  }
0x1e: {  	_ =	swait.ge [sflag:s16], $0x4000  }
0x1f: {  	[sflag:s16] =	ssyncset.done $0x0  }
0x20: {  	[sflag:s16] =	ssyncadd.s32 $0xFFFFC000  }
0x21: {  	[spmem:s10] =	stream.linear.scatter [tilespmem:s15], [sflag:$0x2], $0x4000, $0x38;
	[tilespmem:$0x17D00] =	vst v63  }
0x22: {  	_ =	swait.ge [sflag:s16], $0x4000  }
0x23: {  	[sflag:s16] =	ssyncset.done $0x0  }
0x24: {  	[sflag:s16] =	ssyncadd.s32 $0xFFFFC000  }
0x25: {  	[spmem:s11] =	stream.linear.scatter [tilespmem:s15], [sflag:$0x2], $0x3C00, $0x38;
	[tilespmem:$0x17D00] =	vst v63  }
0x26: {  	_ =	swait.ge [sflag:s16], $0x3C00  }
0x27: {  	[sflag:s16] =	ssyncset.done $0x0  }
0x28: {  	[sflag:s16] =	ssyncadd.s32 $0xFFFFC400  }
0x29: {  	[bflag:$0x0] =	sbarrier.arrive $0xFFFF  }
0x2a: {  	[tilespmem:s4], [sflag:$0x2] =	stream.linear.gather [hbm4b:s14+s4], $0x100, $0x38;
	[tilespmem:$0x17D00] =	vst v63  }
0x2b: {  	_ =	swait.ge [sflag:s16], $0x100  }
0x2c: {  	[sflag:s16] =	ssyncset.done $0x0  }
0x2d: {  	[sflag:s16] =	ssyncadd.s32 $0xFFFFFF00  }
0x2e: {  	[tilespmem:s15], [sflag:$0x1] =	stream.indirect.gather [hbm4b:s5+s17], $0x80, s4, s17, $0xb8;
	[tilespmem:$0x17D00] =	vst v63  }
0x2f: {  	p0 =	sne.s32 s3, $0x1;
	_ =	swait.ge [sflag:s18], $0x4000  }
.Ltmp0:
0x30: {  	[sflag:s18] =	ssyncset.done $0x0;
	(pc) =	sbr.rel @!p0 .LBB2_3-.Ltmp0, $4  }
0x31: {  	[sflag:s18] =	ssyncadd.s32 $0xFFFFC000  }
0x32: {  	[spmem:s2] =	stream.indirect.scatter.add.f32 [tilespmem:s15], [sflag:$0x2], $0x80, s17, s17, $0xb8;
	[tilespmem:$0x17D00] =	vst v63  }
0x33: {  	_ =	swait.ge [sflag:s16], $0x4000  }
0x34: {  	s22 =	sadd.s32 $0xFFFFFFFF, s3;
	s23 =	smov.u32 s14;
	[sflag:s16] =	ssyncset.done $0x0  }
.LBB2_2:
0x35: {  	p0 =	sne.s32 s22, $0x1;
	[sflag:s16] =	ssyncadd.s32 $0xFFFFC000;
	s23 =	sadd.s32 $0x20, s23  }
0x36: {  	[tilespmem:s4], [sflag:$0x2] =	stream.linear.gather [hbm4b:s23+s4], $0x100, $0x38;
	[tilespmem:$0x17D00] =	vst v63  }
0x37: {  	s22 =	sadd.s32 $0xFFFFFFFF, s22;
	_ =	swait.ge [sflag:s16], $0x100  }
0x38: {  	[sflag:s16] =	ssyncset.done $0x0  }
0x39: {  	[sflag:s16] =	ssyncadd.s32 $0xFFFFFF00  }
0x3a: {  	[tilespmem:s15], [sflag:$0x1] =	stream.indirect.gather [hbm4b:s5+s17], $0x80, s4, s17, $0xb8;
	[tilespmem:$0x17D00] =	vst v63  }
0x3b: {  	_ =	swait.ge [sflag:s18], $0x4000  }
.Ltmp1:
0x3c: {  	[sflag:s18] =	ssyncset.done $0x0;
	(pc) =	sbr.rel @p0 .LBB2_2-.Ltmp1, $4  }
0x3d: {  	[sflag:s18] =	ssyncadd.s32 $0xFFFFC000  }
0x3e: {  	[spmem:s2] =	stream.indirect.scatter.add.f32 [tilespmem:s15], [sflag:$0x2], $0x80, s17, s17, $0xb8;
	[tilespmem:$0x17D00] =	vst v63  }
0x3f: {  	_ =	swait.ge [sflag:s16], $0x4000  }
0x40: {  	[sflag:s16] =	ssyncset.done $0x0  }
.LBB2_3:
0x41: {  	s21 =	sadd.s32 $0x1, s21  }
0x42: {  	[sflag:s16] =	ssyncadd.s32 $0xFFFFC000;
	p0 =	sne.s32 s21, s13  }
.Ltmp2:
0x43: {  	[bflag:$0x0] =	sbarrier.arrive $0xFFFF;
	(pc) =	sbr.rel @p0 .LBB2_1-.Ltmp2, $4  }
0x44: {  	[hbm:s12], [sflag:s19] =	dma.local [spmem:s20], $0x2780  }
0x45: {  	_ =	swait.ge [sflag:s16], $0x2780  }
0x46: {  	[sflag:s16] =	ssyncset.done $0x0  }
0x47: {  	[sflag:s16] =	ssyncadd.s32 $0xFFFFD880  }
0x48: {  	_ =	sfence.sel $0x180000  }
0x49: {  	[bflag:$0x0] =	sbarrier.arrive $0xFFFF  }
0x4a: {  	p0 =	sne.s32 s1, $0x0;
	_ =	strace $0x9000004A  }
0x4b: {  	s0 =	sadd.s32 @!p0 $0x100000, s0;
	[bflag:$0x2] =	sbarrier.arrive $0xFFFF  }
0x4c: {  	[sflag:s0] =	ssyncadd.tile.s32 @!p0 $0x1;
	_ =	shalt  }
.Lfunc_end2:
_tile_overlayer_lowered:
.L_overlay_start_2:
0x4d: {  	(tag) =	ssettag $0x2  }
0x4e: {  	s0 =	rddreg [dreg:$0x0];
	s2 =	stileid.u32  }
0x4f: {  	s1 =	rddreg [dreg:$0x1];
	p0 =	sne.s32 s2, $0x0  }
0x50: {  	s3 =	rddreg [dreg:$0x2];
	[bflag:$0x3] =	sbarrier.arrive $0xFFFF;
	s2 =	simm.s32 @!p0 $0x1C02  }
0x51: {  	[timem:s3], [sflag:s2] =	dma.local @!p0 [hbm:s0], s1  }
0x52: {  	s0 =	simm.s32 @!p0 $0x2  }
0x53: {  	_ =	swait.ge @!p0 [sflag:s0], s1  }
0x54: {  	s1 =	ssub.s32 @!p0 $0x0, s1;
	[sflag:s0] =	ssyncset.done @!p0 $0x0  }
0x55: {  	[sflag:s0] =	ssyncadd.s32 @!p0 s1  }
0x56: {  	[bflag:$0x3] =	sbarrier.arrive $0xFFFF  }
0x57: {  	_ =	shalt  }

// kernel: kernel.16.cloned.1.call-start
scs
__scs_entry_jumppad:
0x0: {  	(pc) =	sbr.rel $0x88, $3  }
0x1: {  	(tag) =	ssettag $0x0;
	lr =	simm.s32 $0x1  }
0x2: {  	[smem:$0x3F7B] =	sst lr;
	_ =	strace $0xD0000000  }
0x3: {  	_ = 	snop  }
0x4: {  	_ = 	snop  }
0x5: {  	_ = 	snop  }
0x6: {  	_ = 	snop  }
0x7: {  	_ = 	snop  }
__scs_overlays_trampoline_lowered:
0x8: {  	[smem:$0x3F8A] =	sst s0  }
0x9: {  	[smem:$0x3F8B] =	sst s1  }
0xa: {  	[smem:$0x3F8C] =	sst s2  }
0xb: {  	[smem:$0x3F8D] =	sst s3  }
0xc: {  	[smem:$0x3F8E] =	sst s4  }
0xd: {  	[smem:$0x3F8F] =	sst s5  }
0xe: {  	[smem:$0x3F90] =	sst s6  }
0xf: {  	[smem:$0x3F91] =	sst s7  }
0x10: {  	[smem:$0x3F92] =	sst s8  }
0x11: {  	[smem:$0x3F93] =	sst s9;
	s0 =	simm.s32 @!p0 $0x0  }
0x12: {  	s1 =	sld [smem:$0x3F79];
	s0 =	simm.s32 @p0 $0x1  }
0x13: {  	[smem:$0x3F94] =	sst s0;
	s0 =	simm.s32 @!p1 $0x0  }
0x14: {  	s2 =	sld [smem:$0x3F78];
	s0 =	simm.s32 @p1 $0x1  }
0x15: {  	[smem:$0x3F95] =	sst s0;
	s0 =	simm.s32 @!p2 $0x0  }
0x16: {  	s3 =	sld [smem:$0x3FDB];
	s0 =	simm.s32 @p2 $0x1  }
0x17: {  	s4 =	simm.s32 $0x1BF5;
	[smem:$0x3F97] =	sst s0  }
0x18: {  	s0 =	sld [smem:$0x3F7A];
	_ =	swait.ge [sflag:s4], $0x0  }
0x19: {  	s7 =	sld [smem:$0x3F7B]  }
0x1a: {  	s8 =	sadd.s32 $0xFFFFE003, lr  }
0x1b: {  	s9 =	sadd.s32 $0xFFFFFEF7, lr;
	s5 =	simm.s32 $0xFFFFFFFF;
	p2 =	slt.u32 s8, $0xFFFFF086  }
0x1c: {  	p1 =	slt.u32 s9, $0xF7A;
	s5 =	simm.s32 @!p2 $0x0  }
0x1d: {  	s5 =	simm.s32 @p1 $0x1;
	p0 =	seq.s32 s7, s2  }
0x1e: {  	s7 =	smul.u32 @!p0 $0xF7A, s2;
	p2 =	seq.s32 @!p0 s5, $0x0  }
0x1f: {  	s9 =	smul.u32 $0xF7A, s1;
	s8 =	simm.s32 @!p0 $0x1BF5;
	p2 =	por !p2, p0  }
0x20: {  	[sflag:s8] =	ssyncset.s32 @!p0 $0xFFFFF086;
	s6 =	sadd.s32 @!p0 s3, s7;
	s7 =	simm.s32 @!p0 $0x108  }
0x21: {  	s3 =	sadd.s32 s3, s9;
	s6 =	sadd.s32 @!p0 $0x88, s6;
	s7 =	simm.s32 @p2 $0x1082  }
0x22: {  	[simem:s7], [sflag:s8] =	dma.local @!p0 [hbm:s6], $0xF7A  }
0x23: {  	s9 =	sor.u32 $0xD0000000, s2;
	s6 =	simm.s32 $0x108;
	_ =	swait.ge @!p0 [sflag:s8], $0x0  }
0x24: {  	s3 =	sadd.s32 $0x88, s3;
	s6 =	simm.s32 @!p1 $0x1082;
	[sflag:s4] =	ssyncset.s32 $0xFFFFF086  }
0x25: {  	[simem:s6], [sflag:s4] =	dma.local [hbm:s3], $0xF7A  }
0x26: {  	[smem:$0x3F7B] =	sst s1;
	(tag) =	ssettag s2;
	_ =	strace s9  }
0x27: {  	s1 =	sld [smem:$0x3F8B]  }
0x28: {  	s2 =	sld [smem:$0x3F8C]  }
0x29: {  	s4 =	sld [smem:$0x3F8E]  }
0x2a: {  	p0 =	seq.s32 s5, $0x0;
	s5 =	sld [smem:$0x3F8F]  }
0x2b: {  	s6 =	sld [smem:$0x3F90]  }
0x2c: {  	s7 =	sld [smem:$0x3F91]  }
0x2d: {  	s3 =	simm.s32 $0x108;
	s8 =	sld [smem:$0x3F92]  }
0x2e: {  	s3 =	simm.s32 @!p0 $0x1082;
	s9 =	sld [smem:$0x3F93]  }
0x2f: {  	lr =	sadd.s32 s0, s3;
	s0 =	sld [smem:$0x3F8A]  }
0x30: {  	s3 =	sld [smem:$0x3F8D]  }
0x31: {  	[smem:$0x3F96] =	sst s10  }
0x32: {  	s10 =	sld [smem:$0x3F94];
	_ =	sdelay $0x3  }
0x33: {  	p0 =	seq.s32 s10, $0x1;
	s10 =	sld [smem:$0x3F96];
	_ =	sdelay $0x3  }
0x34: {  	[smem:$0x3F96] =	sst s10  }
0x35: {  	s10 =	sld [smem:$0x3F95];
	_ =	sdelay $0x3  }
0x36: {  	p1 =	seq.s32 s10, $0x1;
	s10 =	sld [smem:$0x3F96];
	_ =	sdelay $0x3  }
0x37: {  	[smem:$0x3F96] =	sst s10  }
0x38: {  	s10 =	sld [smem:$0x3F97]  }
0x39: {  	_ = 	snop;
	(pc) =	sbr.ind lr, $3  }
0x3a: {  	_ = 	snop  }
0x3b: {  	_ = 	snop  }
0x3c: {  	p2 =	seq.s32 s10, $0x1;
	s10 =	sld [smem:$0x3F96]  }
0x3d: {  	_ =	shalt  }
0x3e: {  	_ =	shalt  }
0x3f: {  	_ =	shalt  }
0x40: {  	_ =	shalt  }
0x41: {  	_ =	shalt  }
0x42: {  	_ =	shalt  }
0x43: {  	_ =	shalt  }
0x44: {  	_ =	shalt  }
0x45: {  	_ =	shalt  }
0x46: {  	_ =	shalt  }
0x47: {  	_ =	shalt  }
0x48: {  	_ =	shalt  }
0x49: {  	_ =	shalt  }
0x4a: {  	_ =	shalt  }
0x4b: {  	_ =	shalt  }
0x4c: {  	_ =	shalt  }
0x4d: {  	_ =	shalt  }
0x4e: {  	_ =	shalt  }
0x4f: {  	_ =	shalt  }
0x50: {  	_ =	shalt  }
0x51: {  	_ =	shalt  }
0x52: {  	_ =	shalt  }
0x53: {  	_ =	shalt  }
0x54: {  	_ =	shalt  }
0x55: {  	_ =	shalt  }
0x56: {  	_ =	shalt  }
0x57: {  	_ =	shalt  }
0x58: {  	_ =	shalt  }
0x59: {  	_ =	shalt  }
0x5a: {  	_ =	shalt  }
0x5b: {  	_ =	shalt  }
0x5c: {  	_ =	shalt  }
0x5d: {  	_ =	shalt  }
0x5e: {  	_ =	shalt  }
0x5f: {  	_ =	shalt  }
0x60: {  	_ =	shalt  }
0x61: {  	_ =	shalt  }
0x62: {  	_ =	shalt  }
0x63: {  	_ =	shalt  }
0x64: {  	_ =	shalt  }
0x65: {  	_ =	shalt  }
0x66: {  	_ =	shalt  }
0x67: {  	_ =	shalt  }
0x68: {  	_ =	shalt  }
0x69: {  	_ =	shalt  }
0x6a: {  	_ =	shalt  }
0x6b: {  	_ =	shalt  }
0x6c: {  	_ =	shalt  }
0x6d: {  	_ =	shalt  }
0x6e: {  	_ =	shalt  }
0x6f: {  	_ =	shalt  }
0x70: {  	_ =	shalt  }
0x71: {  	_ =	shalt  }
0x72: {  	_ =	shalt  }
0x73: {  	_ =	shalt  }
0x74: {  	_ =	shalt  }
0x75: {  	_ =	shalt  }
0x76: {  	_ =	shalt  }
0x77: {  	_ =	shalt  }
0x78: {  	_ =	shalt  }
0x79: {  	_ =	shalt  }
0x7a: {  	_ =	shalt  }
0x7b: {  	_ =	shalt  }
0x7c: {  	_ =	shalt  }
0x7d: {  	_ =	shalt  }
0x7e: {  	_ =	shalt  }
0x7f: {  	_ =	shalt  }
0x80: {  	_ =	shalt  }
0x81: {  	_ =	shalt  }
0x82: {  	_ =	shalt  }
0x83: {  	_ =	shalt  }
0x84: {  	_ =	shalt  }
0x85: {  	_ =	shalt  }
0x86: {  	_ =	shalt  }
0x87: {  	_ =	shalt  }
.Lfunc_end0:
.L_simem_size_0:
called_computation.2_lowered:
.L_overlay_start_0:
0x88: {  	s2 =	sld [smem:$0x3FD9]  }
0x89: {  	s3 =	sld [smem:$0x3FFE];
	_ =	sdelay $0x1  }
0x8a: {  	s1 =	srdreg.scid  }
0x8b: {  	s0 =	sand.u32 $0x1, s1  }
0x8c: {  	s16 =	sshll.u32 s0, $0xA;
	s2 =	sadd.s32 s3, s2  }
0x8d: {  	s2 =	sadd.s32 s2, s16  }
0x8e: {  	[smem:$0x3FA2] =	sst s2  }
0x8f: {  	_ = 	snop  }
0x90: {  	(tm) =	ssettm $0x1  }
0x91: {  	s17 =	sld [smem:$0x3FFB];
	_ =	sdelay $0x3  }
0x92: {  	_ =	strace s17  }
0x93: {  	s2 =	sld [smem:$0x3FFC];
	_ =	sdelay $0x3  }
0x94: {  	_ =	strace s2  }
0x95: {  	s2 =	sld [smem:$0x3FFD];
	_ =	sdelay $0x3  }
0x96: {  	_ =	strace s2  }
0x97: {  	_ =	strace $0x8FFFFFFF  }
0x98: {  	s18 =	sld [smem:$0x3FDB];
	_ =	sdelay $0x1  }
0x99: {  	s19 =	simm.s32 $_scs_section_size  }
0x9a: {  	s4 =	simm.s32 $_size__tile_overlayer_lowered;
	s5 =	simm.s32 $_tile_overlayer_lowered  }
0x9b: {  	s22 =	simm.s32 $0x1BFF;
	s21 =	sshll.u32 s5, $0x1;
	s2 =	sadd.s32 s19, s18  }
0x9c: {  	s6 =	simm.s32 $0x0;
	s20 =	sshll.u32 s4, $0x1;
	s4 =	sadd.s32 s21, s2  }
0x9d: {  	[timem:s6], [sflag:s22] =	dma.local [hbm:s4], s20  }
0x9e: {  	_ =	swait.ge [sflag:s22], s20  }
0x9f: {  	s3 =	ssub.s32 $0x0, s20;
	[sflag:s22] =	ssyncset.done $0x0  }
0xa0: {  	[sflag:s22] =	ssyncadd.s32 s3;
	_ =	sdelay $0x1  }
0xa1: {  	s23 =	simm.s32 $0x1B8B  }
0xa2: {  	_ =	swait.ge [sflag:s23], $0x1  }
0xa3: {  	[sflag:s23] =	ssyncset.done $0x0  }
0xa4: {  	s25 =	simm.s32 $0x1B8E;
	s24 =	sld [smem:$0x3FFE];
	[sflag:s23] =	ssyncadd.s32 $0xFFFFFFFF  }
0xa5: {  	s26 =	simm.s32 $execute0_lowered;
	[smem:$0x3FD2] =	sst s25  }
0xa6: {  	s4 =	sshll.u32 s26, $0x1;
	_ =	strace $0x8000004C;
	[dreg:$0x1] =	wrdreg $0xFFFFFFFF  }
0xa7: {  	s28 =	simm.s32 $_size_execute0_lowered;
	s2 =	sadd.s32 s2, s4;
	[dreg:$0x0] =	wrdreg $0x0  }
0xa8: {  	s4 =	sshll.u32 s28, $0x1;
	[dreg:$0x2] =	wrdreg s2  }
0xa9: {  	[dreg:$0x3] =	wrdreg s4  }
0xaa: {  	[dreg:$0x4] =	wrdreg $0xC0  }
0xab: {  	_ =	task [dreg:s6], $0x5FFFF  }
0xac: {  	[dreg:$0x1] =	wrdreg $0xFFFFFFFF  }
0xad: {  	[dreg:$0x0] =	wrdreg $0x60  }
0xae: {  	[dreg:$0x2] =	wrdreg s24  }
0xaf: {  	[dreg:$0x3] =	wrdreg $0x41000  }
0xb0: {  	[dreg:$0x4] =	wrdreg $0x9  }
0xb1: {  	_ =	task.clear_ibuf [dreg:s6], $0x5FFFF;
	_ =	strace $0x9000004C  }
0xb2: {  	s29 =	simm.s32 $0x9;
	_ =	strace $0x8000004E  }
0xb3: {  	_ =	swait.ge [sflag:s29], $0x1  }
0xb4: {  	[sflag:s29] =	ssyncadd.s32 $0xFFFFFFFF  }
0xb5: {  	_ =	strace $0x9000004E  }
0xb6: {  	_ =	sfence  }
0xb7: {  	s30 =	sld [smem:$0x0];
	_ =	sdelay $0x2  }
0xb8: {  	s31 =	sshll.u32 s1, $0xD;
	s1 =	sshrl.u32 s1, $0x2  }
0xb9: {  	s3 =	sand.u32 $0x4000, s31;
	s1 =	sadd.s32 s1, s30  }
0xba: {  	s0 =	sor.u32 s3, s0;
	s1 =	sshll.u32 s1, $0x11  }
0xbb: {  	s0 =	sor.u32 s1, s0  }
0xbc: {  	s0 =	sadd.s32 $0x8F2B, s0  }
0xbd: {  	[sflag:s0] =	ssyncadd.remote.s32 $0x1  }
0xbe: {  	_ =	sfence.sel $0xFFFF  }
0xbf: {  	[dreg:$0x0] =	wrdreg $0xFFFFFFFF;
	(pc) =	sbr.abs _section_cstart, $3  }
0xc0: {  	[dreg:$0x1] =	wrdreg $0xFFFFFFFF  }
0xc1: {  	_ =	task.clear_ibuf [dreg:s6], $0x2FFFF;
	_ =	strace $0x9FFFFFFF  }
0xc2: {  	(tm) =	ssettm $0x7FFFFFFF  }
0xc3: {  	_ =	shalt  }
tec
execute0_lowered:
.L_overlay_start_1:
0x0: {  	(tag) =	ssettag $0x1  }
0x1: {  	s7 =	rddreg [dreg:$0x0]  }
0x2: {  	s0 =	srdreg.scid;
	s2 =	rddreg [dreg:$0x1]  }
0x3: {  	s3 =	simm.s32 $0x73;
	s1 =	stileid.u32;
	s4 =	simm.s32 $0x0  }
0x4: {  	s16 =	simm.s32 $0x2;
	s17 =	simm.s32 $0x80;
	s18 =	simm.s32 $0x1  }
0x5: {  	s21 =	simm.s32 $0x0;
	s9 =	sand.u32 $0x1, s0;
	s0 =	rddreg [dreg:$0x2]  }
0x6: {  	[smem:$0x7FF] =	sst s4;
	s10 =	smul.u32 $0x13C00, s1;
	s5 =	sadd.s32 $0x1BC00, s7  }
0x7: {  	s11 =	smul.u32 $0x4F000, s1;
	s19 =	sshll.u32 s1, $0x6;
	p0 =	seq.s32 s9, $0x0  }
0x8: {  	s8 =	smul.u32 $0x13C000, s9;
	_ =	strace $0x8000004D;
	s30 =	ssub.s32 $0x2, s9  }
0x9: {  	s15 =	smul.u32 $0xE600, s9;
	s19 =	sor.u32 $0x1C02, s19;
	s3 =	simm.s32 @!p0 $0x2B  }
0xa: {  	s31 =	sshrl.u32 s30, $0x1;
	s6 =	smul.u32 s1, s3;
	s8 =	sadd.s32 s10, s8  }
0xb: {  	s11 =	sshrl.u32 s11, $0x2;
	s13 =	ssub.s32 s30, s31;
	s8 =	sshrl.u32 s8, $0x3  }
0xc: {  	s13 =	smax.u32 s13, $0x1;
	s6 =	sshll.u32 s6, $0x5;
	s12 =	sadd.s32 s8, s7  }
0xd: {  	s14 =	sadd.s32 s6, s7;
	s6 =	sadd.s32 $0x42E00, s7;
	s7 =	sadd.s32 s11, s2  }
0xe: {  	s12 =	sadd.s32 $0x43600, s12;
	s8 =	sadd.s32 $0x4000, s7;
	s9 =	sadd.s32 $0x8000, s7  }
0xf: {  	s10 =	sadd.s32 $0xC000, s7;
	s11 =	sadd.s32 $0x10000, s7;
	s14 =	sadd.s32 s15, s14  }
0x10: {  	s15 =	simm.s32 $0x100;
	s20 =	sshrl.u32 s7, $0x3;
	s14 =	sadd.s32 $0x8000, s14  }
.LBB2_1:
0x11: {  	[tilespmem:s15], [sflag:$0x2] =	stream.linear.gather [hbm4b:s6+s4], $0x4000, $0x38;
	[tilespmem:$0x17D00] =	vst v63  }
0x12: {  	_ =	swait.ge [sflag:s16], $0x4000  }
0x13: {  	[sflag:s16] =	ssyncset.done $0x0  }
0x14: {  	[sflag:s16] =	ssyncadd.s32 $0xFFFFC000  }
0x15: {  	[spmem:s7] =	stream.linear.scatter [tilespmem:s15], [sflag:$0x2], $0x4000, $0x38;
	[tilespmem:$0x17D00] =	vst v63  }
0x16: {  	_ =	swait.ge [sflag:s16], $0x4000  }
0x17: {  	[sflag:s16] =	ssyncset.done $0x0  }
0x18: {  	[sflag:s16] =	ssyncadd.s32 $0xFFFFC000  }
0x19: {  	[spmem:s8] =	stream.linear.scatter [tilespmem:s15], [sflag:$0x2], $0x4000, $0x38;
	[tilespmem:$0x17D00] =	vst v63  }
0x1a: {  	_ =	swait.ge [sflag:s16], $0x4000  }
0x1b: {  	[sflag:s16] =	ssyncset.done $0x0  }
0x1c: {  	[sflag:s16] =	ssyncadd.s32 $0xFFFFC000  }
0x1d: {  	[spmem:s9] =	stream.linear.scatter [tilespmem:s15], [sflag:$0x2], $0x4000, $0x38;
	[tilespmem:$0x17D00] =	vst v63  }
0x1e: {  	_ =	swait.ge [sflag:s16], $0x4000  }
0x1f: {  	[sflag:s16] =	ssyncset.done $0x0  }
0x20: {  	[sflag:s16] =	ssyncadd.s32 $0xFFFFC000  }
0x21: {  	[spmem:s10] =	stream.linear.scatter [tilespmem:s15], [sflag:$0x2], $0x4000, $0x38;
	[tilespmem:$0x17D00] =	vst v63  }
0x22: {  	_ =	swait.ge [sflag:s16], $0x4000  }
0x23: {  	[sflag:s16] =	ssyncset.done $0x0  }
0x24: {  	[sflag:s16] =	ssyncadd.s32 $0xFFFFC000  }
0x25: {  	[spmem:s11] =	stream.linear.scatter [tilespmem:s15], [sflag:$0x2], $0x3C00, $0x38;
	[tilespmem:$0x17D00] =	vst v63  }
0x26: {  	_ =	swait.ge [sflag:s16], $0x3C00  }
0x27: {  	[sflag:s16] =	ssyncset.done $0x0  }
0x28: {  	[sflag:s16] =	ssyncadd.s32 $0xFFFFC400  }
0x29: {  	[bflag:$0x0] =	sbarrier.arrive $0xFFFF  }
0x2a: {  	[tilespmem:s4], [sflag:$0x2] =	stream.linear.gather [hbm4b:s14+s4], $0x100, $0x38;
	[tilespmem:$0x17D00] =	vst v63  }
0x2b: {  	_ =	swait.ge [sflag:s16], $0x100  }
0x2c: {  	[sflag:s16] =	ssyncset.done $0x0  }
0x2d: {  	[sflag:s16] =	ssyncadd.s32 $0xFFFFFF00  }
0x2e: {  	[tilespmem:s15], [sflag:$0x1] =	stream.indirect.gather [hbm4b:s5+s17], $0x80, s4, s17, $0xb8;
	[tilespmem:$0x17D00] =	vst v63  }
0x2f: {  	p0 =	sne.s32 s3, $0x1;
	_ =	swait.ge [sflag:s18], $0x4000  }
.Ltmp0:
0x30: {  	[sflag:s18] =	ssyncset.done $0x0;
	(pc) =	sbr.rel @!p0 .LBB2_3-.Ltmp0, $4  }
0x31: {  	[sflag:s18] =	ssyncadd.s32 $0xFFFFC000  }
0x32: {  	[spmem:s2] =	stream.indirect.scatter.add.f32 [tilespmem:s15], [sflag:$0x2], $0x80, s17, s17, $0xb8;
	[tilespmem:$0x17D00] =	vst v63  }
0x33: {  	_ =	swait.ge [sflag:s16], $0x4000  }
0x34: {  	s22 =	sadd.s32 $0xFFFFFFFF, s3;
	s23 =	smov.u32 s14;
	[sflag:s16] =	ssyncset.done $0x0  }
.LBB2_2:
0x35: {  	p0 =	sne.s32 s22, $0x1;
	[sflag:s16] =	ssyncadd.s32 $0xFFFFC000;
	s23 =	sadd.s32 $0x20, s23  }
0x36: {  	[tilespmem:s4], [sflag:$0x2] =	stream.linear.gather [hbm4b:s23+s4], $0x100, $0x38;
	[tilespmem:$0x17D00] =	vst v63  }
0x37: {  	s22 =	sadd.s32 $0xFFFFFFFF, s22;
	_ =	swait.ge [sflag:s16], $0x100  }
0x38: {  	[sflag:s16] =	ssyncset.done $0x0  }
0x39: {  	[sflag:s16] =	ssyncadd.s32 $0xFFFFFF00  }
0x3a: {  	[tilespmem:s15], [sflag:$0x1] =	stream.indirect.gather [hbm4b:s5+s17], $0x80, s4, s17, $0xb8;
	[tilespmem:$0x17D00] =	vst v63  }
0x3b: {  	_ =	swait.ge [sflag:s18], $0x4000  }
.Ltmp1:
0x3c: {  	[sflag:s18] =	ssyncset.done $0x0;
	(pc) =	sbr.rel @p0 .LBB2_2-.Ltmp1, $4  }
0x3d: {  	[sflag:s18] =	ssyncadd.s32 $0xFFFFC000  }
0x3e: {  	[spmem:s2] =	stream.indirect.scatter.add.f32 [tilespmem:s15], [sflag:$0x2], $0x80, s17, s17, $0xb8;
	[tilespmem:$0x17D00] =	vst v63  }
0x3f: {  	_ =	swait.ge [sflag:s16], $0x4000  }
0x40: {  	[sflag:s16] =	ssyncset.done $0x0  }
.LBB2_3:
0x41: {  	s21 =	sadd.s32 $0x1, s21  }
0x42: {  	[sflag:s16] =	ssyncadd.s32 $0xFFFFC000;
	p0 =	sne.s32 s21, s13  }
.Ltmp2:
0x43: {  	[bflag:$0x0] =	sbarrier.arrive $0xFFFF;
	(pc) =	sbr.rel @p0 .LBB2_1-.Ltmp2, $4  }
0x44: {  	[hbm:s12], [sflag:s19] =	dma.local [spmem:s20], $0x2780  }
0x45: {  	_ =	swait.ge [sflag:s16], $0x2780  }
0x46: {  	[sflag:s16] =	ssyncset.done $0x0  }
0x47: {  	[sflag:s16] =	ssyncadd.s32 $0xFFFFD880  }
0x48: {  	_ =	sfence.sel $0x180000  }
0x49: {  	[bflag:$0x0] =	sbarrier.arrive $0xFFFF  }
0x4a: {  	p0 =	sne.s32 s1, $0x0;
	_ =	strace $0x9000004D  }
0x4b: {  	s0 =	sadd.s32 @!p0 $0x100000, s0;
	[bflag:$0x2] =	sbarrier.arrive $0xFFFF  }
0x4c: {  	[sflag:s0] =	ssyncadd.tile.s32 @!p0 $0x1;
	_ =	shalt  }
.Lfunc_end2:
_tile_overlayer_lowered:
.L_overlay_start_2:
0x4d: {  	(tag) =	ssettag $0x2  }
0x4e: {  	s0 =	rddreg [dreg:$0x0];
	s2 =	stileid.u32  }
0x4f: {  	s1 =	rddreg [dreg:$0x1];
	p0 =	sne.s32 s2, $0x0  }
0x50: {  	s3 =	rddreg [dreg:$0x2];
	[bflag:$0x3] =	sbarrier.arrive $0xFFFF;
	s2 =	simm.s32 @!p0 $0x1C02  }
0x51: {  	[timem:s3], [sflag:s2] =	dma.local @!p0 [hbm:s0], s1  }
0x52: {  	s0 =	simm.s32 @!p0 $0x2  }
0x53: {  	_ =	swait.ge @!p0 [sflag:s0], s1  }
0x54: {  	s1 =	ssub.s32 @!p0 $0x0, s1;
	[sflag:s0] =	ssyncset.done @!p0 $0x0  }
0x55: {  	[sflag:s0] =	ssyncadd.s32 @!p0 s1  }
0x56: {  	[bflag:$0x3] =	sbarrier.arrive $0xFFFF  }
0x57: {  	_ =	shalt  }

</sc_bundles>
